<compile_context>
chip_gen: v7x
topology: tpu7x:2x2x1
jax: 0.10.2.dev20260603
libtpu: 0.0.44.dev20260713+nightly
codegen_flags: <defaults>
</compile_context>

<pallas_src>
import dataclasses
import functools

import jax
import jax.numpy as jnp
from jax import lax
from jax.experimental import pallas as pl
from jax.experimental.pallas import tpu as pltpu
from jax.experimental.pallas import tpu_sc as plsc

NUM_GRAPHS = 1024
OUT_DIM = 1024
NUM_WORKERS = 32
GMAX = 64
CHUNK = 16384
XBUF = CHUNK + 24
PTR_PAD = 1040
SPLIT_PAD = 48
LANES = 16
UNROLL = 4
HIST_WORDS = GMAX * OUT_DIM + 2048

_cp = pltpu.CompilerParams()
if "needs_layout_passes" in pltpu.CompilerParams.__dataclass_fields__:
    _cp = dataclasses.replace(_cp, needs_layout_passes=False)


@functools.partial(
    pl.kernel,
    compiler_params=_cp,
    out_type=jax.ShapeDtypeStruct((NUM_GRAPHS, OUT_DIM), jnp.float32),
    mesh=plsc.VectorSubcoreMesh(core_axis_name="c", subcore_axis_name="s"),
    scratch_types=[
        pltpu.VMEM((PTR_PAD,), jnp.int32),
        pltpu.VMEM((SPLIT_PAD,), jnp.int32),
        pltpu.VMEM((XBUF,), jnp.int32),
        pltpu.VMEM((XBUF,), jnp.int32),
        pltpu.VMEM((HIST_WORDS,), jnp.float32),
        pltpu.SemaphoreType.DMA,
        pltpu.SemaphoreType.DMA,
        pltpu.SemaphoreType.DMA,
    ],
)
def _count_kernel(x_hbm, ptr_hbm, out_hbm, ptr_v, gsplit_v,
                  buf0, buf1, hist, sem0, sem1, wsem):
    total = x_hbm.shape[0]
    wid = lax.axis_index("s") * 2 + lax.axis_index("c")

    zeros16 = jnp.zeros((LANES,), jnp.float32)
    ones16 = jnp.ones((LANES,), jnp.float32)
    iota16 = lax.iota(jnp.int32, LANES)
    udim = jnp.uint32(OUT_DIM)

    pltpu.sync_copy(ptr_hbm, ptr_v.at[pl.ds(0, NUM_GRAPHS + 1)])

    prev_max = jnp.int32(0)
    min_carry = jnp.int32(1 << 30)
    for vi in range(SPLIT_PAD // LANES):
        w = vi * LANES + iota16
        t = (w * total) // NUM_WORKERS
        pos = jnp.zeros((LANES,), jnp.int32)
        for sh in (1024, 512, 256, 128, 64, 32, 16, 8, 4, 2, 1):
            cand = pos + (sh - 1)
            vals = plsc.load_gather(ptr_v, [jnp.minimum(cand, NUM_GRAPHS)])
            ok = (cand < NUM_GRAPHS + 1) & (vals < t)
            pos = jnp.where(ok, pos + sh, pos)
        gdn = jnp.maximum(pos - 1, 0)
        gup = jnp.minimum(pos, NUM_GRAPHS)
        vdn = plsc.load_gather(ptr_v, [gdn])
        vup = plsc.load_gather(ptr_v, [gup])
        pick = jnp.where((t - vdn) <= (vup - t), gdn, gup)
        if vi == 0:
            pick = jnp.where(iota16 == 0, 0, pick)
        if vi == 2:
            pick = jnp.where(iota16 == 0, NUM_GRAPHS, pick)
        mono = jnp.maximum(plsc.cummax(pick), prev_max)
        prev_max = mono[LANES - 1]
        low = jnp.maximum(0, NUM_GRAPHS - GMAX * (NUM_WORKERS - w))
        high = jnp.minimum(NUM_GRAPHS, GMAX * w)
        clipped = jnp.clip(mono, low, high)
        y = clipped - GMAX * w
        pmin = jnp.minimum(0 - plsc.cummax(0 - y), min_carry)
        min_carry = pmin[LANES - 1]
        gsplit_v[pl.ds(vi * LANES, LANES)] = GMAX * w + pmin

    gv = gsplit_v[pl.ds(wid, LANES)]
    gs = gv[0]
    ge = gv[1]
    ng = ge - gs

    pw = ptr_v[pl.ds(gs, LANES)]
    wstart = pw[0]
    pe = ptr_v[pl.ds(ge, LANES)]
    wend = pe[0]
    wn = wend - wstart
    base_a = (wstart // 8) * 8
    nch = (wn + (CHUNK - 1)) // CHUNK

    def dma_start(c, buf, sem):
        a = jnp.minimum(base_a + c * CHUNK, total - (CHUNK + 8))
        pltpu.async_copy(x_hbm.at[pl.ds(a, CHUNK + 8)],
                         buf.at[pl.ds(0, CHUNK + 8)], sem)

    @pl.when(nch > 0)
    def _():
        dma_start(jnp.int32(0), buf0, sem0)

    @pl.when(nch > 1)
    def _():
        dma_start(jnp.int32(1), buf1, sem1)

    @plsc.parallel_loop(0, ng * OUT_DIM, step=LANES, unroll=8)
    def _(i):
        hist[pl.ds(i, LANES)] = zeros16

    def dma_wait(buf, sem):
        pltpu.make_async_copy(x_hbm.at[pl.ds(0, CHUNK + 8)],
                              buf.at[pl.ds(0, CHUNK + 8)], sem).wait()

    def scat(colors, mask, bidx):
        idx = bidx + colors
        plsc.addupdate_scatter(hist, [idx], ones16, mask=mask)

    def process(c, buf, g):
        cs = wstart + c * CHUNK
        a = jnp.minimum(base_a + c * CHUNK, total - (CHUNK + 8))
        off = cs - a
        npc = jnp.minimum(wn - c * CHUNK, CHUNK)
        ce = cs + npc

        def piece_cond(st):
            p, _ = st
            return p < ce

        def piece(st):
            p, g = st
            pv = ptr_v[pl.ds(gs + g + 1, LANES)]
            gend = pv[0]
            e = jnp.minimum(gend, ce)
            n = e - p
            bidx = g * OUT_DIM
            boff = off + (p - cs)
            nfull = n // LANES

            @plsc.parallel_loop(0, nfull, unroll=UNROLL)
            def _(v):
                colors = buf[pl.ds(boff + v * LANES, LANES)]
                mask = plsc.bitcast(colors, jnp.uint32) < udim
                scat(colors, mask, bidx)

            rem = n - nfull * LANES

            @pl.when(rem > 0)
            def _():
                colors = buf[pl.ds(boff + nfull * LANES, LANES)]
                mask = (plsc.bitcast(colors, jnp.uint32) < udim) & (iota16 < rem)
                scat(colors, mask, bidx)

            @pl.when(gend <= ce)
            def _():
                pltpu.async_copy(hist.at[pl.ds(g * OUT_DIM, OUT_DIM)],
                                 out_hbm.at[gs + g], wsem)

            g = jnp.where(gend <= ce, g + 1, g)
            return (e, g)

        _, g = lax.while_loop(piece_cond, piece, (cs, g))
        return g

    def pair(i, g):
        c = 2 * i

        dma_wait(buf0, sem0)
        g = process(c, buf0, g)

        @pl.when(c + 2 < nch)
        def _():
            dma_start(c + 2, buf0, sem0)

        def second(g):
            dma_wait(buf1, sem1)
            g = process(c + 1, buf1, g)

            @pl.when(c + 3 < nch)
            def _():
                dma_start(c + 3, buf1, sem1)

            return g

        return lax.cond(c + 1 < nch, second, lambda g: g, g)

    lax.fori_loop(0, (nch + 1) // 2, pair, jnp.int32(0))

    @pl.loop(0, ng)
    def _(g):
        pltpu.make_async_copy(hist.at[pl.ds(0, OUT_DIM)],
                              out_hbm.at[0], wsem).wait()


def kernel(x, ptr):
    x32 = x.astype(jnp.int32)
    ptr32 = ptr.astype(jnp.int32)
    return _count_kernel(x32, ptr32)

# --- scband reference (transcript-rebuilt; emitter-appended) ---
"""Pipeline reference for scband-counting-encoding-73650099191998 (READ-ONLY COPY).

The authoritative reference and input builder live on the scoring server;
editing this copy changes nothing except your own understanding.
"""

import jax, jax.numpy as jnp
import numpy as np

NUM_GRAPHS = 1024
TOTAL_NODES = 8388608
OUT_DIM = 1024  # embedding.embedding_dim
COLOR_MAX = 2048


def setup_inputs(seed: int = 0) -> dict:
    key = jax.random.key(seed)
    k1, k2 = jax.random.split(key)
    # node colors (data.x); some values >= OUT_DIM are intentionally dropped by the module
    x = jax.random.randint(k1, (TOTAL_NODES,), 0, COLOR_MAX, dtype=jnp.int64)
    # ptr: cumulative node offsets per graph, ptr[0]=0, ptr[-1]=TOTAL_NODES, sorted
    inner = jnp.sort(jax.random.randint(k2, (NUM_GRAPHS - 1,), 0, TOTAL_NODES, dtype=jnp.int32))
    ptr = jnp.concatenate([jnp.zeros((1,), jnp.int32), inner, jnp.full((1,), TOTAL_NODES, jnp.int32)])
    return {"x": x, "ptr": ptr}


def reference(x, ptr):
    # Counting_Encoding.forward: per-graph histogram of node colors, bins [0, OUT_DIM)
    num_graphs = ptr.shape[0] - 1
    n = x.shape[0]
    # segment id of each node: node j belongs to graph i iff ptr[i] <= j < ptr[i+1]
    seg = jnp.searchsorted(ptr, jnp.arange(n, dtype=ptr.dtype), side="right") - 1
    seg = jnp.clip(seg, 0, num_graphs - 1)
    # mask out colors >= OUT_DIM (the `if c < self.out_dim` branch)
    mask = (x < OUT_DIM) & (x >= 0)
    col = jnp.clip(x, 0, OUT_DIM - 1)
    flat_idx = seg.astype(jnp.int32) * OUT_DIM + col.astype(jnp.int32)
    out = jnp.zeros((num_graphs * OUT_DIM,), dtype=jnp.float32)
    out = out.at[flat_idx].add(mask.astype(jnp.float32))
    return out.reshape(num_graphs, OUT_DIM)

if __name__ == "__main__":
    import jax
    _d = setup_inputs()
    print(jax.jit(kernel)(*tuple(_d.values())))

</pallas_src>

<mosaic_0001>
#map = affine_map<(d0, d1) -> (0)>
#map1 = affine_map<(d0, d1) -> (0, 0)>
module attributes {stable_mosaic.version = 14 : i64} {
  func.func @_count_kernel(%arg0: i32, %arg1: i32, %arg2: memref<8388608xi32, #tpu.memory_space<hbm>>, %arg3: memref<1025xi32, #tpu.memory_space<hbm>>, %arg4: memref<1024x1024xf32, #tpu.memory_space<hbm>>, %arg5: memref<1040xi32, #tpu.memory_space<vmem>>, %arg6: memref<48xi32, #tpu.memory_space<vmem>>, %arg7: memref<16408xi32, #tpu.memory_space<vmem>>, %arg8: memref<16408xi32, #tpu.memory_space<vmem>>, %arg9: memref<67584xf32, #tpu.memory_space<vmem>>, %arg10: memref<!tpu.dma_semaphore, #tpu.memory_space<semaphore_mem>>, %arg11: memref<!tpu.dma_semaphore, #tpu.memory_space<semaphore_mem>>, %arg12: memref<!tpu.dma_semaphore, #tpu.memory_space<semaphore_mem>>) attributes {dimension_semantics = [#tpu.dimension_semantics<core_parallel>, #tpu.dimension_semantics<subcore_parallel>], iteration_bounds = array<i64: 2, 16>, scalar_prefetch = 0 : i64, scratch_operands = 8 : i64, tpu.core_type = #tpu.core_type<sc_vector_subcore>, window_params = [{transform_indices = #map}, {transform_indices = #map}, {transform_indices = #map1}]} {
    %mul3A = arith.constant 2 : i32
    %mul3A_0 = arith.muli %arg1, %mul3A : i32
    %add3A = arith.addi %mul3A_0, %arg0 : i32
    %broadcast_in_dim3A = arith.constant 0.000000e+00 : f32
    %broadcast_in_dim3A_1 = vector.broadcast %broadcast_in_dim3A : f32 to vector<16xf32>
    %broadcast_in_dim3A_2 = arith.constant 1.000000e+00 : f32
    %broadcast_in_dim3A_3 = vector.broadcast %broadcast_in_dim3A_2 : f32 to vector<16xf32>
    %iota3A = tpu.iota {dimensions = array<i32: 0>} : vector<16xi32>
    "tpu.region"() ({
      %run_scoped3A = tpu.sem_alloc : memref<!tpu.dma_semaphore, #tpu.memory_space<semaphore_mem>>
      %dma_start3A = arith.constant 0 : i32
      %dma_start3A_998 = tpu.memref_slice %arg5[%dma_start3A] : memref<1040xi32, #tpu.memory_space<vmem>> -> memref<1025xi32, #tpu.memory_space<vmem>>
      %dma_start3A_999 = arith.constant 0 : i32
      %dma_start3A_1000 = tpu.memref_slice %arg5[%dma_start3A_999] : memref<1040xi32, #tpu.memory_space<vmem>> -> memref<1025xi32, #tpu.memory_space<vmem>>
      tpu.enqueue_dma source(%arg3 : memref<1025xi32, #tpu.memory_space<hbm>>) target(%dma_start3A_1000 : memref<1025xi32, #tpu.memory_space<vmem>>) target_semaphore(%run_scoped3A : memref<!tpu.dma_semaphore, #tpu.memory_space<semaphore_mem>>)
      %dma_wait3A = arith.constant 0 : i32
      %dma_wait3A_1001 = tpu.memref_slice %arg5[%dma_wait3A] : memref<1040xi32, #tpu.memory_space<vmem>> -> memref<1025xi32, #tpu.memory_space<vmem>>
      %dma_wait3A_1002 = arith.constant 0 : i32
      %dma_wait3A_1003 = tpu.memref_slice %arg5[%dma_wait3A_1002] : memref<1040xi32, #tpu.memory_space<vmem>> -> memref<1025xi32, #tpu.memory_space<vmem>>
      tpu.wait_dma2 semaphore(%run_scoped3A : memref<!tpu.dma_semaphore, #tpu.memory_space<semaphore_mem>>) src(%arg3 : memref<1025xi32, #tpu.memory_space<hbm>>) dst(%dma_wait3A_1003 : memref<1025xi32, #tpu.memory_space<vmem>>)
      tpu.yield
    }) : () -> ()
    %add3A_4 = arith.constant 0 : i32
    %add3A_5 = vector.broadcast %add3A_4 : i32 to vector<16xi32>
    %add3A_6 = arith.addi %add3A_5, %iota3A : vector<16xi32>
    %mul3A_7 = arith.constant 8388608 : i32
    %mul3A_8 = vector.broadcast %mul3A_7 : i32 to vector<16xi32>
    %mul3A_9 = arith.muli %add3A_6, %mul3A_8 : vector<16xi32>
    %jit3A = arith.constant 32 : i32
    %div3A = vector.broadcast %jit3A : i32 to vector<16xi32>
    %div3A_10 = arith.divsi %mul3A_9, %div3A : vector<16xi32>
    %sign3A = arith.constant 0 : i32
    %sign3A_11 = vector.broadcast %sign3A : i32 to vector<16xi32>
    %sign3A_12 = arith.cmpi sgt, %mul3A_9, %sign3A_11 : vector<16xi32>
    %sign3A_13 = arith.extui %sign3A_12 : vector<16xi1> to vector<16xi32>
    %sign3A_14 = arith.constant 0 : i32
    %sign3A_15 = vector.broadcast %sign3A_14 : i32 to vector<16xi32>
    %sign3A_16 = arith.cmpi slt, %mul3A_9, %sign3A_15 : vector<16xi32>
    %sign3A_17 = arith.extui %sign3A_16 : vector<16xi1> to vector<16xi32>
    %sign3A_18 = arith.subi %sign3A_13, %sign3A_17 : vector<16xi32>
    %sign3A_19 = arith.constant 0 : i32
    %sign3A_20 = arith.cmpi sgt, %jit3A, %sign3A_19 : i32
    %sign3A_21 = arith.extui %sign3A_20 : i1 to i32
    %sign3A_22 = arith.constant 0 : i32
    %sign3A_23 = arith.cmpi slt, %jit3A, %sign3A_22 : i32
    %sign3A_24 = arith.extui %sign3A_23 : i1 to i32
    %sign3A_25 = arith.subi %sign3A_21, %sign3A_24 : i32
    %ne3A = vector.broadcast %sign3A_25 : i32 to vector<16xi32>
    %ne3A_26 = arith.cmpi ne, %sign3A_18, %ne3A : vector<16xi32>
    %rem3A = vector.broadcast %jit3A : i32 to vector<16xi32>
    %rem3A_27 = arith.remsi %mul3A_9, %rem3A : vector<16xi32>
    %ne3A_28 = arith.constant 0 : i32
    %ne3A_29 = vector.broadcast %ne3A_28 : i32 to vector<16xi32>
    %ne3A_30 = arith.cmpi ne, %rem3A_27, %ne3A_29 : vector<16xi32>
    %and3A = arith.andi %ne3A_26, %ne3A_30 : vector<16xi1>
    %sub3A = arith.constant 1 : i32
    %sub3A_31 = vector.broadcast %sub3A : i32 to vector<16xi32>
    %sub3A_32 = arith.subi %div3A_10, %sub3A_31 : vector<16xi32>
    %select_n3A = arith.select %and3A, %sub3A_32, %div3A_10 : vector<16xi1>, vector<16xi32>
    %broadcast_in_dim3A_33 = arith.constant 0 : i32
    %broadcast_in_dim3A_34 = vector.broadcast %broadcast_in_dim3A_33 : i32 to vector<16xi32>
    %add3A_35 = arith.constant 1023 : i32
    %add3A_36 = vector.broadcast %add3A_35 : i32 to vector<16xi32>
    %add3A_37 = arith.addi %broadcast_in_dim3A_34, %add3A_36 : vector<16xi32>
    %min3A = arith.constant 1024 : i32
    %min3A_38 = vector.broadcast %min3A : i32 to vector<16xi32>
    %min3A_39 = arith.minsi %add3A_37, %min3A_38 : vector<16xi32>
    %gather3A = tpu.vector_load_idx %arg5[%min3A_39] : memref<1040xi32, #tpu.memory_space<vmem>>[vector<16xi32>], vector<16xi32>,
    %lt3A = arith.constant 1025 : i32
    %lt3A_40 = vector.broadcast %lt3A : i32 to vector<16xi32>
    %lt3A_41 = arith.cmpi slt, %add3A_37, %lt3A_40 : vector<16xi32>
    %lt3A_42 = arith.cmpi slt, %gather3A, %select_n3A : vector<16xi32>
    %and3A_43 = arith.andi %lt3A_41, %lt3A_42 : vector<16xi1>
    %add3A_44 = arith.constant 1024 : i32
    %add3A_45 = vector.broadcast %add3A_44 : i32 to vector<16xi32>
    %add3A_46 = arith.addi %broadcast_in_dim3A_34, %add3A_45 : vector<16xi32>
    %select_n3A_47 = arith.select %and3A_43, %add3A_46, %broadcast_in_dim3A_34 : vector<16xi1>, vector<16xi32>
    %add3A_48 = arith.constant 511 : i32
    %add3A_49 = vector.broadcast %add3A_48 : i32 to vector<16xi32>
    %add3A_50 = arith.addi %select_n3A_47, %add3A_49 : vector<16xi32>
    %min3A_51 = arith.constant 1024 : i32
    %min3A_52 = vector.broadcast %min3A_51 : i32 to vector<16xi32>
    %min3A_53 = arith.minsi %add3A_50, %min3A_52 : vector<16xi32>
    %gather3A_54 = tpu.vector_load_idx %arg5[%min3A_53] : memref<1040xi32, #tpu.memory_space<vmem>>[vector<16xi32>], vector<16xi32>,
    %lt3A_55 = arith.constant 1025 : i32
    %lt3A_56 = vector.broadcast %lt3A_55 : i32 to vector<16xi32>
    %lt3A_57 = arith.cmpi slt, %add3A_50, %lt3A_56 : vector<16xi32>
    %lt3A_58 = arith.cmpi slt, %gather3A_54, %select_n3A : vector<16xi32>
    %and3A_59 = arith.andi %lt3A_57, %lt3A_58 : vector<16xi1>
    %add3A_60 = arith.constant 512 : i32
    %add3A_61 = vector.broadcast %add3A_60 : i32 to vector<16xi32>
    %add3A_62 = arith.addi %select_n3A_47, %add3A_61 : vector<16xi32>
    %select_n3A_63 = arith.select %and3A_59, %add3A_62, %select_n3A_47 : vector<16xi1>, vector<16xi32>
    %add3A_64 = arith.constant 255 : i32
    %add3A_65 = vector.broadcast %add3A_64 : i32 to vector<16xi32>
    %add3A_66 = arith.addi %select_n3A_63, %add3A_65 : vector<16xi32>
    %min3A_67 = arith.constant 1024 : i32
    %min3A_68 = vector.broadcast %min3A_67 : i32 to vector<16xi32>
    %min3A_69 = arith.minsi %add3A_66, %min3A_68 : vector<16xi32>
    %gather3A_70 = tpu.vector_load_idx %arg5[%min3A_69] : memref<1040xi32, #tpu.memory_space<vmem>>[vector<16xi32>], vector<16xi32>,
    %lt3A_71 = arith.constant 1025 : i32
    %lt3A_72 = vector.broadcast %lt3A_71 : i32 to vector<16xi32>
    %lt3A_73 = arith.cmpi slt, %add3A_66, %lt3A_72 : vector<16xi32>
    %lt3A_74 = arith.cmpi slt, %gather3A_70, %select_n3A : vector<16xi32>
    %and3A_75 = arith.andi %lt3A_73, %lt3A_74 : vector<16xi1>
    %add3A_76 = arith.constant 256 : i32
    %add3A_77 = vector.broadcast %add3A_76 : i32 to vector<16xi32>
    %add3A_78 = arith.addi %select_n3A_63, %add3A_77 : vector<16xi32>
    %select_n3A_79 = arith.select %and3A_75, %add3A_78, %select_n3A_63 : vector<16xi1>, vector<16xi32>
    %add3A_80 = arith.constant 127 : i32
    %add3A_81 = vector.broadcast %add3A_80 : i32 to vector<16xi32>
    %add3A_82 = arith.addi %select_n3A_79, %add3A_81 : vector<16xi32>
    %min3A_83 = arith.constant 1024 : i32
    %min3A_84 = vector.broadcast %min3A_83 : i32 to vector<16xi32>
    %min3A_85 = arith.minsi %add3A_82, %min3A_84 : vector<16xi32>
    %gather3A_86 = tpu.vector_load_idx %arg5[%min3A_85] : memref<1040xi32, #tpu.memory_space<vmem>>[vector<16xi32>], vector<16xi32>,
    %lt3A_87 = arith.constant 1025 : i32
    %lt3A_88 = vector.broadcast %lt3A_87 : i32 to vector<16xi32>
    %lt3A_89 = arith.cmpi slt, %add3A_82, %lt3A_88 : vector<16xi32>
    %lt3A_90 = arith.cmpi slt, %gather3A_86, %select_n3A : vector<16xi32>
    %and3A_91 = arith.andi %lt3A_89, %lt3A_90 : vector<16xi1>
    %add3A_92 = arith.constant 128 : i32
    %add3A_93 = vector.broadcast %add3A_92 : i32 to vector<16xi32>
    %add3A_94 = arith.addi %select_n3A_79, %add3A_93 : vector<16xi32>
    %select_n3A_95 = arith.select %and3A_91, %add3A_94, %select_n3A_79 : vector<16xi1>, vector<16xi32>
    %add3A_96 = arith.constant 63 : i32
    %add3A_97 = vector.broadcast %add3A_96 : i32 to vector<16xi32>
    %add3A_98 = arith.addi %select_n3A_95, %add3A_97 : vector<16xi32>
    %min3A_99 = arith.constant 1024 : i32
    %min3A_100 = vector.broadcast %min3A_99 : i32 to vector<16xi32>
    %min3A_101 = arith.minsi %add3A_98, %min3A_100 : vector<16xi32>
    %gather3A_102 = tpu.vector_load_idx %arg5[%min3A_101] : memref<1040xi32, #tpu.memory_space<vmem>>[vector<16xi32>], vector<16xi32>,
    %lt3A_103 = arith.constant 1025 : i32
    %lt3A_104 = vector.broadcast %lt3A_103 : i32 to vector<16xi32>
    %lt3A_105 = arith.cmpi slt, %add3A_98, %lt3A_104 : vector<16xi32>
    %lt3A_106 = arith.cmpi slt, %gather3A_102, %select_n3A : vector<16xi32>
    %and3A_107 = arith.andi %lt3A_105, %lt3A_106 : vector<16xi1>
    %add3A_108 = arith.constant 64 : i32
    %add3A_109 = vector.broadcast %add3A_108 : i32 to vector<16xi32>
    %add3A_110 = arith.addi %select_n3A_95, %add3A_109 : vector<16xi32>
    %select_n3A_111 = arith.select %and3A_107, %add3A_110, %select_n3A_95 : vector<16xi1>, vector<16xi32>
    %add3A_112 = arith.constant 31 : i32
    %add3A_113 = vector.broadcast %add3A_112 : i32 to vector<16xi32>
    %add3A_114 = arith.addi %select_n3A_111, %add3A_113 : vector<16xi32>
    %min3A_115 = arith.constant 1024 : i32
    %min3A_116 = vector.broadcast %min3A_115 : i32 to vector<16xi32>
    %min3A_117 = arith.minsi %add3A_114, %min3A_116 : vector<16xi32>
    %gather3A_118 = tpu.vector_load_idx %arg5[%min3A_117] : memref<1040xi32, #tpu.memory_space<vmem>>[vector<16xi32>], vector<16xi32>,
    %lt3A_119 = arith.constant 1025 : i32
    %lt3A_120 = vector.broadcast %lt3A_119 : i32 to vector<16xi32>
    %lt3A_121 = arith.cmpi slt, %add3A_114, %lt3A_120 : vector<16xi32>
    %lt3A_122 = arith.cmpi slt, %gather3A_118, %select_n3A : vector<16xi32>
    %and3A_123 = arith.andi %lt3A_121, %lt3A_122 : vector<16xi1>
    %add3A_124 = arith.constant 32 : i32
    %add3A_125 = vector.broadcast %add3A_124 : i32 to vector<16xi32>
    %add3A_126 = arith.addi %select_n3A_111, %add3A_125 : vector<16xi32>
    %select_n3A_127 = arith.select %and3A_123, %add3A_126, %select_n3A_111 : vector<16xi1>, vector<16xi32>
    %add3A_128 = arith.constant 15 : i32
    %add3A_129 = vector.broadcast %add3A_128 : i32 to vector<16xi32>
    %add3A_130 = arith.addi %select_n3A_127, %add3A_129 : vector<16xi32>
    %min3A_131 = arith.constant 1024 : i32
    %min3A_132 = vector.broadcast %min3A_131 : i32 to vector<16xi32>
    %min3A_133 = arith.minsi %add3A_130, %min3A_132 : vector<16xi32>
    %gather3A_134 = tpu.vector_load_idx %arg5[%min3A_133] : memref<1040xi32, #tpu.memory_space<vmem>>[vector<16xi32>], vector<16xi32>,
    %lt3A_135 = arith.constant 1025 : i32
    %lt3A_136 = vector.broadcast %lt3A_135 : i32 to vector<16xi32>
    %lt3A_137 = arith.cmpi slt, %add3A_130, %lt3A_136 : vector<16xi32>
    %lt3A_138 = arith.cmpi slt, %gather3A_134, %select_n3A : vector<16xi32>
    %and3A_139 = arith.andi %lt3A_137, %lt3A_138 : vector<16xi1>
    %add3A_140 = arith.constant 16 : i32
    %add3A_141 = vector.broadcast %add3A_140 : i32 to vector<16xi32>
    %add3A_142 = arith.addi %select_n3A_127, %add3A_141 : vector<16xi32>
    %select_n3A_143 = arith.select %and3A_139, %add3A_142, %select_n3A_127 : vector<16xi1>, vector<16xi32>
    %add3A_144 = arith.constant 7 : i32
    %add3A_145 = vector.broadcast %add3A_144 : i32 to vector<16xi32>
    %add3A_146 = arith.addi %select_n3A_143, %add3A_145 : vector<16xi32>
    %min3A_147 = arith.constant 1024 : i32
    %min3A_148 = vector.broadcast %min3A_147 : i32 to vector<16xi32>
    %min3A_149 = arith.minsi %add3A_146, %min3A_148 : vector<16xi32>
    %gather3A_150 = tpu.vector_load_idx %arg5[%min3A_149] : memref<1040xi32, #tpu.memory_space<vmem>>[vector<16xi32>], vector<16xi32>,
    %lt3A_151 = arith.constant 1025 : i32
    %lt3A_152 = vector.broadcast %lt3A_151 : i32 to vector<16xi32>
    %lt3A_153 = arith.cmpi slt, %add3A_146, %lt3A_152 : vector<16xi32>
    %lt3A_154 = arith.cmpi slt, %gather3A_150, %select_n3A : vector<16xi32>
    %and3A_155 = arith.andi %lt3A_153, %lt3A_154 : vector<16xi1>
    %add3A_156 = arith.constant 8 : i32
    %add3A_157 = vector.broadcast %add3A_156 : i32 to vector<16xi32>
    %add3A_158 = arith.addi %select_n3A_143, %add3A_157 : vector<16xi32>
    %select_n3A_159 = arith.select %and3A_155, %add3A_158, %select_n3A_143 : vector<16xi1>, vector<16xi32>
    %add3A_160 = arith.constant 3 : i32
    %add3A_161 = vector.broadcast %add3A_160 : i32 to vector<16xi32>
    %add3A_162 = arith.addi %select_n3A_159, %add3A_161 : vector<16xi32>
    %min3A_163 = arith.constant 1024 : i32
    %min3A_164 = vector.broadcast %min3A_163 : i32 to vector<16xi32>
    %min3A_165 = arith.minsi %add3A_162, %min3A_164 : vector<16xi32>
    %gather3A_166 = tpu.vector_load_idx %arg5[%min3A_165] : memref<1040xi32, #tpu.memory_space<vmem>>[vector<16xi32>], vector<16xi32>,
    %lt3A_167 = arith.constant 1025 : i32
    %lt3A_168 = vector.broadcast %lt3A_167 : i32 to vector<16xi32>
    %lt3A_169 = arith.cmpi slt, %add3A_162, %lt3A_168 : vector<16xi32>
    %lt3A_170 = arith.cmpi slt, %gather3A_166, %select_n3A : vector<16xi32>
    %and3A_171 = arith.andi %lt3A_169, %lt3A_170 : vector<16xi1>
    %add3A_172 = arith.constant 4 : i32
    %add3A_173 = vector.broadcast %add3A_172 : i32 to vector<16xi32>
    %add3A_174 = arith.addi %select_n3A_159, %add3A_173 : vector<16xi32>
    %select_n3A_175 = arith.select %and3A_171, %add3A_174, %select_n3A_159 : vector<16xi1>, vector<16xi32>
    %add3A_176 = arith.constant 1 : i32
    %add3A_177 = vector.broadcast %add3A_176 : i32 to vector<16xi32>
    %add3A_178 = arith.addi %select_n3A_175, %add3A_177 : vector<16xi32>
    %min3A_179 = arith.constant 1024 : i32
    %min3A_180 = vector.broadcast %min3A_179 : i32 to vector<16xi32>
    %min3A_181 = arith.minsi %add3A_178, %min3A_180 : vector<16xi32>
    %gather3A_182 = tpu.vector_load_idx %arg5[%min3A_181] : memref<1040xi32, #tpu.memory_space<vmem>>[vector<16xi32>], vector<16xi32>,
    %lt3A_183 = arith.constant 1025 : i32
    %lt3A_184 = vector.broadcast %lt3A_183 : i32 to vector<16xi32>
    %lt3A_185 = arith.cmpi slt, %add3A_178, %lt3A_184 : vector<16xi32>
    %lt3A_186 = arith.cmpi slt, %gather3A_182, %select_n3A : vector<16xi32>
    %and3A_187 = arith.andi %lt3A_185, %lt3A_186 : vector<16xi1>
    %add3A_188 = arith.constant 2 : i32
    %add3A_189 = vector.broadcast %add3A_188 : i32 to vector<16xi32>
    %add3A_190 = arith.addi %select_n3A_175, %add3A_189 : vector<16xi32>
    %select_n3A_191 = arith.select %and3A_187, %add3A_190, %select_n3A_175 : vector<16xi1>, vector<16xi32>
    %add3A_192 = arith.constant 0 : i32
    %add3A_193 = vector.broadcast %add3A_192 : i32 to vector<16xi32>
    %add3A_194 = arith.addi %select_n3A_191, %add3A_193 : vector<16xi32>
    %min3A_195 = arith.constant 1024 : i32
    %min3A_196 = vector.broadcast %min3A_195 : i32 to vector<16xi32>
    %min3A_197 = arith.minsi %add3A_194, %min3A_196 : vector<16xi32>
    %gather3A_198 = tpu.vector_load_idx %arg5[%min3A_197] : memref<1040xi32, #tpu.memory_space<vmem>>[vector<16xi32>], vector<16xi32>,
    %lt3A_199 = arith.constant 1025 : i32
    %lt3A_200 = vector.broadcast %lt3A_199 : i32 to vector<16xi32>
    %lt3A_201 = arith.cmpi slt, %add3A_194, %lt3A_200 : vector<16xi32>
    %lt3A_202 = arith.cmpi slt, %gather3A_198, %select_n3A : vector<16xi32>
    %and3A_203 = arith.andi %lt3A_201, %lt3A_202 : vector<16xi1>
    %add3A_204 = arith.constant 1 : i32
    %add3A_205 = vector.broadcast %add3A_204 : i32 to vector<16xi32>
    %add3A_206 = arith.addi %select_n3A_191, %add3A_205 : vector<16xi32>
    %select_n3A_207 = arith.select %and3A_203, %add3A_206, %select_n3A_191 : vector<16xi1>, vector<16xi32>
    %sub3A_208 = arith.constant 1 : i32
    %sub3A_209 = vector.broadcast %sub3A_208 : i32 to vector<16xi32>
    %sub3A_210 = arith.subi %select_n3A_207, %sub3A_209 : vector<16xi32>
    %max3A = arith.constant 0 : i32
    %max3A_211 = vector.broadcast %max3A : i32 to vector<16xi32>
    %max3A_212 = arith.maxsi %sub3A_210, %max3A_211 : vector<16xi32>
    %min3A_213 = arith.constant 1024 : i32
    %min3A_214 = vector.broadcast %min3A_213 : i32 to vector<16xi32>
    %min3A_215 = arith.minsi %select_n3A_207, %min3A_214 : vector<16xi32>
    %gather3A_216 = tpu.vector_load_idx %arg5[%max3A_212] : memref<1040xi32, #tpu.memory_space<vmem>>[vector<16xi32>], vector<16xi32>,
    %gather3A_217 = tpu.vector_load_idx %arg5[%min3A_215] : memref<1040xi32, #tpu.memory_space<vmem>>[vector<16xi32>], vector<16xi32>,
    %sub3A_218 = arith.subi %select_n3A, %gather3A_216 : vector<16xi32>
    %sub3A_219 = arith.subi %gather3A_217, %select_n3A : vector<16xi32>
    %le3A = arith.cmpi sle, %sub3A_218, %sub3A_219 : vector<16xi32>
    %select_n3A_220 = arith.select %le3A, %max3A_212, %min3A_215 : vector<16xi1>, vector<16xi32>
    %eq3A = arith.constant 0 : i32
    %eq3A_221 = vector.broadcast %eq3A : i32 to vector<16xi32>
    %eq3A_222 = arith.cmpi eq, %iota3A, %eq3A_221 : vector<16xi32>
    %jit3A_223 = arith.constant 0 : i32
    %broadcast_in_dim3A_224 = vector.broadcast %jit3A_223 : i32 to vector<16xi32>
    %select_n3A_225 = arith.select %eq3A_222, %broadcast_in_dim3A_224, %select_n3A_220 : vector<16xi1>, vector<16xi32>
    %broadcast_in_dim3A_226 = arith.constant true
    %broadcast_in_dim3A_227 = vector.broadcast %broadcast_in_dim3A_226 : i1 to vector<16xi1>
    %masked_cummax3A = arith.constant -2147483648 : i32
    %masked_cummax3A_228 = vector.broadcast %masked_cummax3A : i32 to vector<16xi32>
    %masked_cummax3A_229 = arith.xori %select_n3A_225, %masked_cummax3A_228 : vector<16xi32>
    %masked_cummax3A_230 = tpu.scan <max>, %masked_cummax3A_229 masked %broadcast_in_dim3A_227 : vector<16xi32>, vector<16xi1> -> vector<16xi32>
    %masked_cummax3A_231 = arith.xori %masked_cummax3A_230, %masked_cummax3A_228 : vector<16xi32>
    %max3A_232 = arith.constant 0 : i32
    %max3A_233 = vector.broadcast %max3A_232 : i32 to vector<16xi32>
    %max3A_234 = arith.maxsi %masked_cummax3A_231, %max3A_233 : vector<16xi32>
    %slice3A = vector.extract_strided_slice %max3A_234 {offsets = [15], sizes = [1], strides = [1]} : vector<16xi32> to vector<1xi32>
    %squeeze3A = vector.extract %slice3A[0] : i32 from vector<1xi32>
    %sub3A_235 = arith.constant 32 : i32
    %sub3A_236 = vector.broadcast %sub3A_235 : i32 to vector<16xi32>
    %sub3A_237 = arith.subi %sub3A_236, %add3A_6 : vector<16xi32>
    %mul3A_238 = arith.constant 64 : i32
    %mul3A_239 = vector.broadcast %mul3A_238 : i32 to vector<16xi32>
    %mul3A_240 = arith.muli %mul3A_239, %sub3A_237 : vector<16xi32>
    %sub3A_241 = arith.constant 1024 : i32
    %sub3A_242 = vector.broadcast %sub3A_241 : i32 to vector<16xi32>
    %sub3A_243 = arith.subi %sub3A_242, %mul3A_240 : vector<16xi32>
    %max3A_244 = arith.constant 0 : i32
    %max3A_245 = vector.broadcast %max3A_244 : i32 to vector<16xi32>
    %max3A_246 = arith.maxsi %max3A_245, %sub3A_243 : vector<16xi32>
    %mul3A_247 = arith.constant 64 : i32
    %mul3A_248 = vector.broadcast %mul3A_247 : i32 to vector<16xi32>
    %mul3A_249 = arith.muli %mul3A_248, %add3A_6 : vector<16xi32>
    %min3A_250 = arith.constant 1024 : i32
    %min3A_251 = vector.broadcast %min3A_250 : i32 to vector<16xi32>
    %min3A_252 = arith.minsi %min3A_251, %mul3A_249 : vector<16xi32>
    %max3A_253 = arith.maxsi %max3A_246, %max3A_234 : vector<16xi32>
    %min3A_254 = arith.minsi %min3A_252, %max3A_253 : vector<16xi32>
    %mul3A_255 = arith.constant 64 : i32
    %mul3A_256 = vector.broadcast %mul3A_255 : i32 to vector<16xi32>
    %mul3A_257 = arith.muli %mul3A_256, %add3A_6 : vector<16xi32>
    %sub3A_258 = arith.subi %min3A_254, %mul3A_257 : vector<16xi32>
    %sub3A_259 = arith.constant 0 : i32
    %sub3A_260 = vector.broadcast %sub3A_259 : i32 to vector<16xi32>
    %sub3A_261 = arith.subi %sub3A_260, %sub3A_258 : vector<16xi32>
    %broadcast_in_dim3A_262 = arith.constant true
    %broadcast_in_dim3A_263 = vector.broadcast %broadcast_in_dim3A_262 : i1 to vector<16xi1>
    %masked_cummax3A_264 = arith.constant -2147483648 : i32
    %masked_cummax3A_265 = vector.broadcast %masked_cummax3A_264 : i32 to vector<16xi32>
    %masked_cummax3A_266 = arith.xori %sub3A_261, %masked_cummax3A_265 : vector<16xi32>
    %masked_cummax3A_267 = tpu.scan <max>, %masked_cummax3A_266 masked %broadcast_in_dim3A_263 : vector<16xi32>, vector<16xi1> -> vector<16xi32>
    %masked_cummax3A_268 = arith.xori %masked_cummax3A_267, %masked_cummax3A_265 : vector<16xi32>
    %sub3A_269 = arith.constant 0 : i32
    %sub3A_270 = vector.broadcast %sub3A_269 : i32 to vector<16xi32>
    %sub3A_271 = arith.subi %sub3A_270, %masked_cummax3A_268 : vector<16xi32>
    %min3A_272 = arith.constant 1073741824 : i32
    %min3A_273 = vector.broadcast %min3A_272 : i32 to vector<16xi32>
    %min3A_274 = arith.minsi %sub3A_271, %min3A_273 : vector<16xi32>
    %slice3A_275 = vector.extract_strided_slice %min3A_274 {offsets = [15], sizes = [1], strides = [1]} : vector<16xi32> to vector<1xi32>
    %squeeze3A_276 = vector.extract %slice3A_275[0] : i32 from vector<1xi32>
    %mul3A_277 = arith.constant 64 : i32
    %mul3A_278 = vector.broadcast %mul3A_277 : i32 to vector<16xi32>
    %mul3A_279 = arith.muli %mul3A_278, %add3A_6 : vector<16xi32>
    %add3A_280 = arith.addi %mul3A_279, %min3A_274 : vector<16xi32>
    %swap3A = arith.constant 0 : index
    %swap3A_281 = tpu.vector_load %arg6[%swap3A] {strides = array<i32>} : memref<48xi32, #tpu.memory_space<vmem>>, vector<16xi32>,
    tpu.vector_store %arg6[%swap3A], %add3A_280 {strides = array<i32>} : memref<48xi32, #tpu.memory_space<vmem>>, vector<16xi32>,
    %add3A_282 = arith.constant 16 : i32
    %add3A_283 = vector.broadcast %add3A_282 : i32 to vector<16xi32>
    %add3A_284 = arith.addi %add3A_283, %iota3A : vector<16xi32>
    %mul3A_285 = arith.constant 8388608 : i32
    %mul3A_286 = vector.broadcast %mul3A_285 : i32 to vector<16xi32>
    %mul3A_287 = arith.muli %add3A_284, %mul3A_286 : vector<16xi32>
    %jit3A_288 = arith.constant 32 : i32
    %div3A_289 = vector.broadcast %jit3A_288 : i32 to vector<16xi32>
    %div3A_290 = arith.divsi %mul3A_287, %div3A_289 : vector<16xi32>
    %sign3A_291 = arith.constant 0 : i32
    %sign3A_292 = vector.broadcast %sign3A_291 : i32 to vector<16xi32>
    %sign3A_293 = arith.cmpi sgt, %mul3A_287, %sign3A_292 : vector<16xi32>
    %sign3A_294 = arith.extui %sign3A_293 : vector<16xi1> to vector<16xi32>
    %sign3A_295 = arith.constant 0 : i32
    %sign3A_296 = vector.broadcast %sign3A_295 : i32 to vector<16xi32>
    %sign3A_297 = arith.cmpi slt, %mul3A_287, %sign3A_296 : vector<16xi32>
    %sign3A_298 = arith.extui %sign3A_297 : vector<16xi1> to vector<16xi32>
    %sign3A_299 = arith.subi %sign3A_294, %sign3A_298 : vector<16xi32>
    %sign3A_300 = arith.constant 0 : i32
    %sign3A_301 = arith.cmpi sgt, %jit3A_288, %sign3A_300 : i32
    %sign3A_302 = arith.extui %sign3A_301 : i1 to i32
    %sign3A_303 = arith.constant 0 : i32
    %sign3A_304 = arith.cmpi slt, %jit3A_288, %sign3A_303 : i32
    %sign3A_305 = arith.extui %sign3A_304 : i1 to i32
    %sign3A_306 = arith.subi %sign3A_302, %sign3A_305 : i32
    %ne3A_307 = vector.broadcast %sign3A_306 : i32 to vector<16xi32>
    %ne3A_308 = arith.cmpi ne, %sign3A_299, %ne3A_307 : vector<16xi32>
    %rem3A_309 = vector.broadcast %jit3A_288 : i32 to vector<16xi32>
    %rem3A_310 = arith.remsi %mul3A_287, %rem3A_309 : vector<16xi32>
    %ne3A_311 = arith.constant 0 : i32
    %ne3A_312 = vector.broadcast %ne3A_311 : i32 to vector<16xi32>
    %ne3A_313 = arith.cmpi ne, %rem3A_310, %ne3A_312 : vector<16xi32>
    %and3A_314 = arith.andi %ne3A_308, %ne3A_313 : vector<16xi1>
    %sub3A_315 = arith.constant 1 : i32
    %sub3A_316 = vector.broadcast %sub3A_315 : i32 to vector<16xi32>
    %sub3A_317 = arith.subi %div3A_290, %sub3A_316 : vector<16xi32>
    %select_n3A_318 = arith.select %and3A_314, %sub3A_317, %div3A_290 : vector<16xi1>, vector<16xi32>
    %broadcast_in_dim3A_319 = arith.constant 0 : i32
    %broadcast_in_dim3A_320 = vector.broadcast %broadcast_in_dim3A_319 : i32 to vector<16xi32>
    %add3A_321 = arith.constant 1023 : i32
    %add3A_322 = vector.broadcast %add3A_321 : i32 to vector<16xi32>
    %add3A_323 = arith.addi %broadcast_in_dim3A_320, %add3A_322 : vector<16xi32>
    %min3A_324 = arith.constant 1024 : i32
    %min3A_325 = vector.broadcast %min3A_324 : i32 to vector<16xi32>
    %min3A_326 = arith.minsi %add3A_323, %min3A_325 : vector<16xi32>
    %gather3A_327 = tpu.vector_load_idx %arg5[%min3A_326] : memref<1040xi32, #tpu.memory_space<vmem>>[vector<16xi32>], vector<16xi32>,
    %lt3A_328 = arith.constant 1025 : i32
    %lt3A_329 = vector.broadcast %lt3A_328 : i32 to vector<16xi32>
    %lt3A_330 = arith.cmpi slt, %add3A_323, %lt3A_329 : vector<16xi32>
    %lt3A_331 = arith.cmpi slt, %gather3A_327, %select_n3A_318 : vector<16xi32>
    %and3A_332 = arith.andi %lt3A_330, %lt3A_331 : vector<16xi1>
    %add3A_333 = arith.constant 1024 : i32
    %add3A_334 = vector.broadcast %add3A_333 : i32 to vector<16xi32>
    %add3A_335 = arith.addi %broadcast_in_dim3A_320, %add3A_334 : vector<16xi32>
    %select_n3A_336 = arith.select %and3A_332, %add3A_335, %broadcast_in_dim3A_320 : vector<16xi1>, vector<16xi32>
    %add3A_337 = arith.constant 511 : i32
    %add3A_338 = vector.broadcast %add3A_337 : i32 to vector<16xi32>
    %add3A_339 = arith.addi %select_n3A_336, %add3A_338 : vector<16xi32>
    %min3A_340 = arith.constant 1024 : i32
    %min3A_341 = vector.broadcast %min3A_340 : i32 to vector<16xi32>
    %min3A_342 = arith.minsi %add3A_339, %min3A_341 : vector<16xi32>
    %gather3A_343 = tpu.vector_load_idx %arg5[%min3A_342] : memref<1040xi32, #tpu.memory_space<vmem>>[vector<16xi32>], vector<16xi32>,
    %lt3A_344 = arith.constant 1025 : i32
    %lt3A_345 = vector.broadcast %lt3A_344 : i32 to vector<16xi32>
    %lt3A_346 = arith.cmpi slt, %add3A_339, %lt3A_345 : vector<16xi32>
    %lt3A_347 = arith.cmpi slt, %gather3A_343, %select_n3A_318 : vector<16xi32>
    %and3A_348 = arith.andi %lt3A_346, %lt3A_347 : vector<16xi1>
    %add3A_349 = arith.constant 512 : i32
    %add3A_350 = vector.broadcast %add3A_349 : i32 to vector<16xi32>
    %add3A_351 = arith.addi %select_n3A_336, %add3A_350 : vector<16xi32>
    %select_n3A_352 = arith.select %and3A_348, %add3A_351, %select_n3A_336 : vector<16xi1>, vector<16xi32>
    %add3A_353 = arith.constant 255 : i32
    %add3A_354 = vector.broadcast %add3A_353 : i32 to vector<16xi32>
    %add3A_355 = arith.addi %select_n3A_352, %add3A_354 : vector<16xi32>
    %min3A_356 = arith.constant 1024 : i32
    %min3A_357 = vector.broadcast %min3A_356 : i32 to vector<16xi32>
    %min3A_358 = arith.minsi %add3A_355, %min3A_357 : vector<16xi32>
    %gather3A_359 = tpu.vector_load_idx %arg5[%min3A_358] : memref<1040xi32, #tpu.memory_space<vmem>>[vector<16xi32>], vector<16xi32>,
    %lt3A_360 = arith.constant 1025 : i32
    %lt3A_361 = vector.broadcast %lt3A_360 : i32 to vector<16xi32>
    %lt3A_362 = arith.cmpi slt, %add3A_355, %lt3A_361 : vector<16xi32>
    %lt3A_363 = arith.cmpi slt, %gather3A_359, %select_n3A_318 : vector<16xi32>
    %and3A_364 = arith.andi %lt3A_362, %lt3A_363 : vector<16xi1>
    %add3A_365 = arith.constant 256 : i32
    %add3A_366 = vector.broadcast %add3A_365 : i32 to vector<16xi32>
    %add3A_367 = arith.addi %select_n3A_352, %add3A_366 : vector<16xi32>
    %select_n3A_368 = arith.select %and3A_364, %add3A_367, %select_n3A_352 : vector<16xi1>, vector<16xi32>
    %add3A_369 = arith.constant 127 : i32
    %add3A_370 = vector.broadcast %add3A_369 : i32 to vector<16xi32>
    %add3A_371 = arith.addi %select_n3A_368, %add3A_370 : vector<16xi32>
    %min3A_372 = arith.constant 1024 : i32
    %min3A_373 = vector.broadcast %min3A_372 : i32 to vector<16xi32>
    %min3A_374 = arith.minsi %add3A_371, %min3A_373 : vector<16xi32>
    %gather3A_375 = tpu.vector_load_idx %arg5[%min3A_374] : memref<1040xi32, #tpu.memory_space<vmem>>[vector<16xi32>], vector<16xi32>,
    %lt3A_376 = arith.constant 1025 : i32
    %lt3A_377 = vector.broadcast %lt3A_376 : i32 to vector<16xi32>
    %lt3A_378 = arith.cmpi slt, %add3A_371, %lt3A_377 : vector<16xi32>
    %lt3A_379 = arith.cmpi slt, %gather3A_375, %select_n3A_318 : vector<16xi32>
    %and3A_380 = arith.andi %lt3A_378, %lt3A_379 : vector<16xi1>
    %add3A_381 = arith.constant 128 : i32
    %add3A_382 = vector.broadcast %add3A_381 : i32 to vector<16xi32>
    %add3A_383 = arith.addi %select_n3A_368, %add3A_382 : vector<16xi32>
    %select_n3A_384 = arith.select %and3A_380, %add3A_383, %select_n3A_368 : vector<16xi1>, vector<16xi32>
    %add3A_385 = arith.constant 63 : i32
    %add3A_386 = vector.broadcast %add3A_385 : i32 to vector<16xi32>
    %add3A_387 = arith.addi %select_n3A_384, %add3A_386 : vector<16xi32>
    %min3A_388 = arith.constant 1024 : i32
    %min3A_389 = vector.broadcast %min3A_388 : i32 to vector<16xi32>
    %min3A_390 = arith.minsi %add3A_387, %min3A_389 : vector<16xi32>
    %gather3A_391 = tpu.vector_load_idx %arg5[%min3A_390] : memref<1040xi32, #tpu.memory_space<vmem>>[vector<16xi32>], vector<16xi32>,
    %lt3A_392 = arith.constant 1025 : i32
    %lt3A_393 = vector.broadcast %lt3A_392 : i32 to vector<16xi32>
    %lt3A_394 = arith.cmpi slt, %add3A_387, %lt3A_393 : vector<16xi32>
    %lt3A_395 = arith.cmpi slt, %gather3A_391, %select_n3A_318 : vector<16xi32>
    %and3A_396 = arith.andi %lt3A_394, %lt3A_395 : vector<16xi1>
    %add3A_397 = arith.constant 64 : i32
    %add3A_398 = vector.broadcast %add3A_397 : i32 to vector<16xi32>
    %add3A_399 = arith.addi %select_n3A_384, %add3A_398 : vector<16xi32>
    %select_n3A_400 = arith.select %and3A_396, %add3A_399, %select_n3A_384 : vector<16xi1>, vector<16xi32>
    %add3A_401 = arith.constant 31 : i32
    %add3A_402 = vector.broadcast %add3A_401 : i32 to vector<16xi32>
    %add3A_403 = arith.addi %select_n3A_400, %add3A_402 : vector<16xi32>
    %min3A_404 = arith.constant 1024 : i32
    %min3A_405 = vector.broadcast %min3A_404 : i32 to vector<16xi32>
    %min3A_406 = arith.minsi %add3A_403, %min3A_405 : vector<16xi32>
    %gather3A_407 = tpu.vector_load_idx %arg5[%min3A_406] : memref<1040xi32, #tpu.memory_space<vmem>>[vector<16xi32>], vector<16xi32>,
    %lt3A_408 = arith.constant 1025 : i32
    %lt3A_409 = vector.broadcast %lt3A_408 : i32 to vector<16xi32>
    %lt3A_410 = arith.cmpi slt, %add3A_403, %lt3A_409 : vector<16xi32>
    %lt3A_411 = arith.cmpi slt, %gather3A_407, %select_n3A_318 : vector<16xi32>
    %and3A_412 = arith.andi %lt3A_410, %lt3A_411 : vector<16xi1>
    %add3A_413 = arith.constant 32 : i32
    %add3A_414 = vector.broadcast %add3A_413 : i32 to vector<16xi32>
    %add3A_415 = arith.addi %select_n3A_400, %add3A_414 : vector<16xi32>
    %select_n3A_416 = arith.select %and3A_412, %add3A_415, %select_n3A_400 : vector<16xi1>, vector<16xi32>
    %add3A_417 = arith.constant 15 : i32
    %add3A_418 = vector.broadcast %add3A_417 : i32 to vector<16xi32>
    %add3A_419 = arith.addi %select_n3A_416, %add3A_418 : vector<16xi32>
    %min3A_420 = arith.constant 1024 : i32
    %min3A_421 = vector.broadcast %min3A_420 : i32 to vector<16xi32>
    %min3A_422 = arith.minsi %add3A_419, %min3A_421 : vector<16xi32>
    %gather3A_423 = tpu.vector_load_idx %arg5[%min3A_422] : memref<1040xi32, #tpu.memory_space<vmem>>[vector<16xi32>], vector<16xi32>,
    %lt3A_424 = arith.constant 1025 : i32
    %lt3A_425 = vector.broadcast %lt3A_424 : i32 to vector<16xi32>
    %lt3A_426 = arith.cmpi slt, %add3A_419, %lt3A_425 : vector<16xi32>
    %lt3A_427 = arith.cmpi slt, %gather3A_423, %select_n3A_318 : vector<16xi32>
    %and3A_428 = arith.andi %lt3A_426, %lt3A_427 : vector<16xi1>
    %add3A_429 = arith.constant 16 : i32
    %add3A_430 = vector.broadcast %add3A_429 : i32 to vector<16xi32>
    %add3A_431 = arith.addi %select_n3A_416, %add3A_430 : vector<16xi32>
    %select_n3A_432 = arith.select %and3A_428, %add3A_431, %select_n3A_416 : vector<16xi1>, vector<16xi32>
    %add3A_433 = arith.constant 7 : i32
    %add3A_434 = vector.broadcast %add3A_433 : i32 to vector<16xi32>
    %add3A_435 = arith.addi %select_n3A_432, %add3A_434 : vector<16xi32>
    %min3A_436 = arith.constant 1024 : i32
    %min3A_437 = vector.broadcast %min3A_436 : i32 to vector<16xi32>
    %min3A_438 = arith.minsi %add3A_435, %min3A_437 : vector<16xi32>
    %gather3A_439 = tpu.vector_load_idx %arg5[%min3A_438] : memref<1040xi32, #tpu.memory_space<vmem>>[vector<16xi32>], vector<16xi32>,
    %lt3A_440 = arith.constant 1025 : i32
    %lt3A_441 = vector.broadcast %lt3A_440 : i32 to vector<16xi32>
    %lt3A_442 = arith.cmpi slt, %add3A_435, %lt3A_441 : vector<16xi32>
    %lt3A_443 = arith.cmpi slt, %gather3A_439, %select_n3A_318 : vector<16xi32>
    %and3A_444 = arith.andi %lt3A_442, %lt3A_443 : vector<16xi1>
    %add3A_445 = arith.constant 8 : i32
    %add3A_446 = vector.broadcast %add3A_445 : i32 to vector<16xi32>
    %add3A_447 = arith.addi %select_n3A_432, %add3A_446 : vector<16xi32>
    %select_n3A_448 = arith.select %and3A_444, %add3A_447, %select_n3A_432 : vector<16xi1>, vector<16xi32>
    %add3A_449 = arith.constant 3 : i32
    %add3A_450 = vector.broadcast %add3A_449 : i32 to vector<16xi32>
    %add3A_451 = arith.addi %select_n3A_448, %add3A_450 : vector<16xi32>
    %min3A_452 = arith.constant 1024 : i32
    %min3A_453 = vector.broadcast %min3A_452 : i32 to vector<16xi32>
    %min3A_454 = arith.minsi %add3A_451, %min3A_453 : vector<16xi32>
    %gather3A_455 = tpu.vector_load_idx %arg5[%min3A_454] : memref<1040xi32, #tpu.memory_space<vmem>>[vector<16xi32>], vector<16xi32>,
    %lt3A_456 = arith.constant 1025 : i32
    %lt3A_457 = vector.broadcast %lt3A_456 : i32 to vector<16xi32>
    %lt3A_458 = arith.cmpi slt, %add3A_451, %lt3A_457 : vector<16xi32>
    %lt3A_459 = arith.cmpi slt, %gather3A_455, %select_n3A_318 : vector<16xi32>
    %and3A_460 = arith.andi %lt3A_458, %lt3A_459 : vector<16xi1>
    %add3A_461 = arith.constant 4 : i32
    %add3A_462 = vector.broadcast %add3A_461 : i32 to vector<16xi32>
    %add3A_463 = arith.addi %select_n3A_448, %add3A_462 : vector<16xi32>
    %select_n3A_464 = arith.select %and3A_460, %add3A_463, %select_n3A_448 : vector<16xi1>, vector<16xi32>
    %add3A_465 = arith.constant 1 : i32
    %add3A_466 = vector.broadcast %add3A_465 : i32 to vector<16xi32>
    %add3A_467 = arith.addi %select_n3A_464, %add3A_466 : vector<16xi32>
    %min3A_468 = arith.constant 1024 : i32
    %min3A_469 = vector.broadcast %min3A_468 : i32 to vector<16xi32>
    %min3A_470 = arith.minsi %add3A_467, %min3A_469 : vector<16xi32>
    %gather3A_471 = tpu.vector_load_idx %arg5[%min3A_470] : memref<1040xi32, #tpu.memory_space<vmem>>[vector<16xi32>], vector<16xi32>,
    %lt3A_472 = arith.constant 1025 : i32
    %lt3A_473 = vector.broadcast %lt3A_472 : i32 to vector<16xi32>
    %lt3A_474 = arith.cmpi slt, %add3A_467, %lt3A_473 : vector<16xi32>
    %lt3A_475 = arith.cmpi slt, %gather3A_471, %select_n3A_318 : vector<16xi32>
    %and3A_476 = arith.andi %lt3A_474, %lt3A_475 : vector<16xi1>
    %add3A_477 = arith.constant 2 : i32
    %add3A_478 = vector.broadcast %add3A_477 : i32 to vector<16xi32>
    %add3A_479 = arith.addi %select_n3A_464, %add3A_478 : vector<16xi32>
    %select_n3A_480 = arith.select %and3A_476, %add3A_479, %select_n3A_464 : vector<16xi1>, vector<16xi32>
    %add3A_481 = arith.constant 0 : i32
    %add3A_482 = vector.broadcast %add3A_481 : i32 to vector<16xi32>
    %add3A_483 = arith.addi %select_n3A_480, %add3A_482 : vector<16xi32>
    %min3A_484 = arith.constant 1024 : i32
    %min3A_485 = vector.broadcast %min3A_484 : i32 to vector<16xi32>
    %min3A_486 = arith.minsi %add3A_483, %min3A_485 : vector<16xi32>
    %gather3A_487 = tpu.vector_load_idx %arg5[%min3A_486] : memref<1040xi32, #tpu.memory_space<vmem>>[vector<16xi32>], vector<16xi32>,
    %lt3A_488 = arith.constant 1025 : i32
    %lt3A_489 = vector.broadcast %lt3A_488 : i32 to vector<16xi32>
    %lt3A_490 = arith.cmpi slt, %add3A_483, %lt3A_489 : vector<16xi32>
    %lt3A_491 = arith.cmpi slt, %gather3A_487, %select_n3A_318 : vector<16xi32>
    %and3A_492 = arith.andi %lt3A_490, %lt3A_491 : vector<16xi1>
    %add3A_493 = arith.constant 1 : i32
    %add3A_494 = vector.broadcast %add3A_493 : i32 to vector<16xi32>
    %add3A_495 = arith.addi %select_n3A_480, %add3A_494 : vector<16xi32>
    %select_n3A_496 = arith.select %and3A_492, %add3A_495, %select_n3A_480 : vector<16xi1>, vector<16xi32>
    %sub3A_497 = arith.constant 1 : i32
    %sub3A_498 = vector.broadcast %sub3A_497 : i32 to vector<16xi32>
    %sub3A_499 = arith.subi %select_n3A_496, %sub3A_498 : vector<16xi32>
    %max3A_500 = arith.constant 0 : i32
    %max3A_501 = vector.broadcast %max3A_500 : i32 to vector<16xi32>
    %max3A_502 = arith.maxsi %sub3A_499, %max3A_501 : vector<16xi32>
    %min3A_503 = arith.constant 1024 : i32
    %min3A_504 = vector.broadcast %min3A_503 : i32 to vector<16xi32>
    %min3A_505 = arith.minsi %select_n3A_496, %min3A_504 : vector<16xi32>
    %gather3A_506 = tpu.vector_load_idx %arg5[%max3A_502] : memref<1040xi32, #tpu.memory_space<vmem>>[vector<16xi32>], vector<16xi32>,
    %gather3A_507 = tpu.vector_load_idx %arg5[%min3A_505] : memref<1040xi32, #tpu.memory_space<vmem>>[vector<16xi32>], vector<16xi32>,
    %sub3A_508 = arith.subi %select_n3A_318, %gather3A_506 : vector<16xi32>
    %sub3A_509 = arith.subi %gather3A_507, %select_n3A_318 : vector<16xi32>
    %le3A_510 = arith.cmpi sle, %sub3A_508, %sub3A_509 : vector<16xi32>
    %select_n3A_511 = arith.select %le3A_510, %max3A_502, %min3A_505 : vector<16xi1>, vector<16xi32>
    %broadcast_in_dim3A_512 = arith.constant true
    %broadcast_in_dim3A_513 = vector.broadcast %broadcast_in_dim3A_512 : i1 to vector<16xi1>
    %masked_cummax3A_514 = arith.constant -2147483648 : i32
    %masked_cummax3A_515 = vector.broadcast %masked_cummax3A_514 : i32 to vector<16xi32>
    %masked_cummax3A_516 = arith.xori %select_n3A_511, %masked_cummax3A_515 : vector<16xi32>
    %masked_cummax3A_517 = tpu.scan <max>, %masked_cummax3A_516 masked %broadcast_in_dim3A_513 : vector<16xi32>, vector<16xi1> -> vector<16xi32>
    %masked_cummax3A_518 = arith.xori %masked_cummax3A_517, %masked_cummax3A_515 : vector<16xi32>
    %max3A_519 = vector.broadcast %squeeze3A : i32 to vector<16xi32>
    %max3A_520 = arith.maxsi %masked_cummax3A_518, %max3A_519 : vector<16xi32>
    %slice3A_521 = vector.extract_strided_slice %max3A_520 {offsets = [15], sizes = [1], strides = [1]} : vector<16xi32> to vector<1xi32>
    %squeeze3A_522 = vector.extract %slice3A_521[0] : i32 from vector<1xi32>
    %sub3A_523 = arith.constant 32 : i32
    %sub3A_524 = vector.broadcast %sub3A_523 : i32 to vector<16xi32>
    %sub3A_525 = arith.subi %sub3A_524, %add3A_284 : vector<16xi32>
    %mul3A_526 = arith.constant 64 : i32
    %mul3A_527 = vector.broadcast %mul3A_526 : i32 to vector<16xi32>
    %mul3A_528 = arith.muli %mul3A_527, %sub3A_525 : vector<16xi32>
    %sub3A_529 = arith.constant 1024 : i32
    %sub3A_530 = vector.broadcast %sub3A_529 : i32 to vector<16xi32>
    %sub3A_531 = arith.subi %sub3A_530, %mul3A_528 : vector<16xi32>
    %max3A_532 = arith.constant 0 : i32
    %max3A_533 = vector.broadcast %max3A_532 : i32 to vector<16xi32>
    %max3A_534 = arith.maxsi %max3A_533, %sub3A_531 : vector<16xi32>
    %mul3A_535 = arith.constant 64 : i32
    %mul3A_536 = vector.broadcast %mul3A_535 : i32 to vector<16xi32>
    %mul3A_537 = arith.muli %mul3A_536, %add3A_284 : vector<16xi32>
    %min3A_538 = arith.constant 1024 : i32
    %min3A_539 = vector.broadcast %min3A_538 : i32 to vector<16xi32>
    %min3A_540 = arith.minsi %min3A_539, %mul3A_537 : vector<16xi32>
    %max3A_541 = arith.maxsi %max3A_534, %max3A_520 : vector<16xi32>
    %min3A_542 = arith.minsi %min3A_540, %max3A_541 : vector<16xi32>
    %mul3A_543 = arith.constant 64 : i32
    %mul3A_544 = vector.broadcast %mul3A_543 : i32 to vector<16xi32>
    %mul3A_545 = arith.muli %mul3A_544, %add3A_284 : vector<16xi32>
    %sub3A_546 = arith.subi %min3A_542, %mul3A_545 : vector<16xi32>
    %sub3A_547 = arith.constant 0 : i32
    %sub3A_548 = vector.broadcast %sub3A_547 : i32 to vector<16xi32>
    %sub3A_549 = arith.subi %sub3A_548, %sub3A_546 : vector<16xi32>
    %broadcast_in_dim3A_550 = arith.constant true
    %broadcast_in_dim3A_551 = vector.broadcast %broadcast_in_dim3A_550 : i1 to vector<16xi1>
    %masked_cummax3A_552 = arith.constant -2147483648 : i32
    %masked_cummax3A_553 = vector.broadcast %masked_cummax3A_552 : i32 to vector<16xi32>
    %masked_cummax3A_554 = arith.xori %sub3A_549, %masked_cummax3A_553 : vector<16xi32>
    %masked_cummax3A_555 = tpu.scan <max>, %masked_cummax3A_554 masked %broadcast_in_dim3A_551 : vector<16xi32>, vector<16xi1> -> vector<16xi32>
    %masked_cummax3A_556 = arith.xori %masked_cummax3A_555, %masked_cummax3A_553 : vector<16xi32>
    %sub3A_557 = arith.constant 0 : i32
    %sub3A_558 = vector.broadcast %sub3A_557 : i32 to vector<16xi32>
    %sub3A_559 = arith.subi %sub3A_558, %masked_cummax3A_556 : vector<16xi32>
    %min3A_560 = vector.broadcast %squeeze3A_276 : i32 to vector<16xi32>
    %min3A_561 = arith.minsi %sub3A_559, %min3A_560 : vector<16xi32>
    %slice3A_562 = vector.extract_strided_slice %min3A_561 {offsets = [15], sizes = [1], strides = [1]} : vector<16xi32> to vector<1xi32>
    %squeeze3A_563 = vector.extract %slice3A_562[0] : i32 from vector<1xi32>
    %mul3A_564 = arith.constant 64 : i32
    %mul3A_565 = vector.broadcast %mul3A_564 : i32 to vector<16xi32>
    %mul3A_566 = arith.muli %mul3A_565, %add3A_284 : vector<16xi32>
    %add3A_567 = arith.addi %mul3A_566, %min3A_561 : vector<16xi32>
    %swap3A_568 = arith.constant 16 : index
    %swap3A_569 = tpu.vector_load %arg6[%swap3A_568] {strides = array<i32>} : memref<48xi32, #tpu.memory_space<vmem>>, vector<16xi32>,
    tpu.vector_store %arg6[%swap3A_568], %add3A_567 {strides = array<i32>} : memref<48xi32, #tpu.memory_space<vmem>>, vector<16xi32>,
    %add3A_570 = arith.constant 32 : i32
    %add3A_571 = vector.broadcast %add3A_570 : i32 to vector<16xi32>
    %add3A_572 = arith.addi %add3A_571, %iota3A : vector<16xi32>
    %mul3A_573 = arith.constant 8388608 : i32
    %mul3A_574 = vector.broadcast %mul3A_573 : i32 to vector<16xi32>
    %mul3A_575 = arith.muli %add3A_572, %mul3A_574 : vector<16xi32>
    %jit3A_576 = arith.constant 32 : i32
    %div3A_577 = vector.broadcast %jit3A_576 : i32 to vector<16xi32>
    %div3A_578 = arith.divsi %mul3A_575, %div3A_577 : vector<16xi32>
    %sign3A_579 = arith.constant 0 : i32
    %sign3A_580 = vector.broadcast %sign3A_579 : i32 to vector<16xi32>
    %sign3A_581 = arith.cmpi sgt, %mul3A_575, %sign3A_580 : vector<16xi32>
    %sign3A_582 = arith.extui %sign3A_581 : vector<16xi1> to vector<16xi32>
    %sign3A_583 = arith.constant 0 : i32
    %sign3A_584 = vector.broadcast %sign3A_583 : i32 to vector<16xi32>
    %sign3A_585 = arith.cmpi slt, %mul3A_575, %sign3A_584 : vector<16xi32>
    %sign3A_586 = arith.extui %sign3A_585 : vector<16xi1> to vector<16xi32>
    %sign3A_587 = arith.subi %sign3A_582, %sign3A_586 : vector<16xi32>
    %sign3A_588 = arith.constant 0 : i32
    %sign3A_589 = arith.cmpi sgt, %jit3A_576, %sign3A_588 : i32
    %sign3A_590 = arith.extui %sign3A_589 : i1 to i32
    %sign3A_591 = arith.constant 0 : i32
    %sign3A_592 = arith.cmpi slt, %jit3A_576, %sign3A_591 : i32
    %sign3A_593 = arith.extui %sign3A_592 : i1 to i32
    %sign3A_594 = arith.subi %sign3A_590, %sign3A_593 : i32
    %ne3A_595 = vector.broadcast %sign3A_594 : i32 to vector<16xi32>
    %ne3A_596 = arith.cmpi ne, %sign3A_587, %ne3A_595 : vector<16xi32>
    %rem3A_597 = vector.broadcast %jit3A_576 : i32 to vector<16xi32>
    %rem3A_598 = arith.remsi %mul3A_575, %rem3A_597 : vector<16xi32>
    %ne3A_599 = arith.constant 0 : i32
    %ne3A_600 = vector.broadcast %ne3A_599 : i32 to vector<16xi32>
    %ne3A_601 = arith.cmpi ne, %rem3A_598, %ne3A_600 : vector<16xi32>
    %and3A_602 = arith.andi %ne3A_596, %ne3A_601 : vector<16xi1>
    %sub3A_603 = arith.constant 1 : i32
    %sub3A_604 = vector.broadcast %sub3A_603 : i32 to vector<16xi32>
    %sub3A_605 = arith.subi %div3A_578, %sub3A_604 : vector<16xi32>
    %select_n3A_606 = arith.select %and3A_602, %sub3A_605, %div3A_578 : vector<16xi1>, vector<16xi32>
    %broadcast_in_dim3A_607 = arith.constant 0 : i32
    %broadcast_in_dim3A_608 = vector.broadcast %broadcast_in_dim3A_607 : i32 to vector<16xi32>
    %add3A_609 = arith.constant 1023 : i32
    %add3A_610 = vector.broadcast %add3A_609 : i32 to vector<16xi32>
    %add3A_611 = arith.addi %broadcast_in_dim3A_608, %add3A_610 : vector<16xi32>
    %min3A_612 = arith.constant 1024 : i32
    %min3A_613 = vector.broadcast %min3A_612 : i32 to vector<16xi32>
    %min3A_614 = arith.minsi %add3A_611, %min3A_613 : vector<16xi32>
    %gather3A_615 = tpu.vector_load_idx %arg5[%min3A_614] : memref<1040xi32, #tpu.memory_space<vmem>>[vector<16xi32>], vector<16xi32>,
    %lt3A_616 = arith.constant 1025 : i32
    %lt3A_617 = vector.broadcast %lt3A_616 : i32 to vector<16xi32>
    %lt3A_618 = arith.cmpi slt, %add3A_611, %lt3A_617 : vector<16xi32>
    %lt3A_619 = arith.cmpi slt, %gather3A_615, %select_n3A_606 : vector<16xi32>
    %and3A_620 = arith.andi %lt3A_618, %lt3A_619 : vector<16xi1>
    %add3A_621 = arith.constant 1024 : i32
    %add3A_622 = vector.broadcast %add3A_621 : i32 to vector<16xi32>
    %add3A_623 = arith.addi %broadcast_in_dim3A_608, %add3A_622 : vector<16xi32>
    %select_n3A_624 = arith.select %and3A_620, %add3A_623, %broadcast_in_dim3A_608 : vector<16xi1>, vector<16xi32>
    %add3A_625 = arith.constant 511 : i32
    %add3A_626 = vector.broadcast %add3A_625 : i32 to vector<16xi32>
    %add3A_627 = arith.addi %select_n3A_624, %add3A_626 : vector<16xi32>
    %min3A_628 = arith.constant 1024 : i32
    %min3A_629 = vector.broadcast %min3A_628 : i32 to vector<16xi32>
    %min3A_630 = arith.minsi %add3A_627, %min3A_629 : vector<16xi32>
    %gather3A_631 = tpu.vector_load_idx %arg5[%min3A_630] : memref<1040xi32, #tpu.memory_space<vmem>>[vector<16xi32>], vector<16xi32>,
    %lt3A_632 = arith.constant 1025 : i32
    %lt3A_633 = vector.broadcast %lt3A_632 : i32 to vector<16xi32>
    %lt3A_634 = arith.cmpi slt, %add3A_627, %lt3A_633 : vector<16xi32>
    %lt3A_635 = arith.cmpi slt, %gather3A_631, %select_n3A_606 : vector<16xi32>
    %and3A_636 = arith.andi %lt3A_634, %lt3A_635 : vector<16xi1>
    %add3A_637 = arith.constant 512 : i32
    %add3A_638 = vector.broadcast %add3A_637 : i32 to vector<16xi32>
    %add3A_639 = arith.addi %select_n3A_624, %add3A_638 : vector<16xi32>
    %select_n3A_640 = arith.select %and3A_636, %add3A_639, %select_n3A_624 : vector<16xi1>, vector<16xi32>
    %add3A_641 = arith.constant 255 : i32
    %add3A_642 = vector.broadcast %add3A_641 : i32 to vector<16xi32>
    %add3A_643 = arith.addi %select_n3A_640, %add3A_642 : vector<16xi32>
    %min3A_644 = arith.constant 1024 : i32
    %min3A_645 = vector.broadcast %min3A_644 : i32 to vector<16xi32>
    %min3A_646 = arith.minsi %add3A_643, %min3A_645 : vector<16xi32>
    %gather3A_647 = tpu.vector_load_idx %arg5[%min3A_646] : memref<1040xi32, #tpu.memory_space<vmem>>[vector<16xi32>], vector<16xi32>,
    %lt3A_648 = arith.constant 1025 : i32
    %lt3A_649 = vector.broadcast %lt3A_648 : i32 to vector<16xi32>
    %lt3A_650 = arith.cmpi slt, %add3A_643, %lt3A_649 : vector<16xi32>
    %lt3A_651 = arith.cmpi slt, %gather3A_647, %select_n3A_606 : vector<16xi32>
    %and3A_652 = arith.andi %lt3A_650, %lt3A_651 : vector<16xi1>
    %add3A_653 = arith.constant 256 : i32
    %add3A_654 = vector.broadcast %add3A_653 : i32 to vector<16xi32>
    %add3A_655 = arith.addi %select_n3A_640, %add3A_654 : vector<16xi32>
    %select_n3A_656 = arith.select %and3A_652, %add3A_655, %select_n3A_640 : vector<16xi1>, vector<16xi32>
    %add3A_657 = arith.constant 127 : i32
    %add3A_658 = vector.broadcast %add3A_657 : i32 to vector<16xi32>
    %add3A_659 = arith.addi %select_n3A_656, %add3A_658 : vector<16xi32>
    %min3A_660 = arith.constant 1024 : i32
    %min3A_661 = vector.broadcast %min3A_660 : i32 to vector<16xi32>
    %min3A_662 = arith.minsi %add3A_659, %min3A_661 : vector<16xi32>
    %gather3A_663 = tpu.vector_load_idx %arg5[%min3A_662] : memref<1040xi32, #tpu.memory_space<vmem>>[vector<16xi32>], vector<16xi32>,
    %lt3A_664 = arith.constant 1025 : i32
    %lt3A_665 = vector.broadcast %lt3A_664 : i32 to vector<16xi32>
    %lt3A_666 = arith.cmpi slt, %add3A_659, %lt3A_665 : vector<16xi32>
    %lt3A_667 = arith.cmpi slt, %gather3A_663, %select_n3A_606 : vector<16xi32>
    %and3A_668 = arith.andi %lt3A_666, %lt3A_667 : vector<16xi1>
    %add3A_669 = arith.constant 128 : i32
    %add3A_670 = vector.broadcast %add3A_669 : i32 to vector<16xi32>
    %add3A_671 = arith.addi %select_n3A_656, %add3A_670 : vector<16xi32>
    %select_n3A_672 = arith.select %and3A_668, %add3A_671, %select_n3A_656 : vector<16xi1>, vector<16xi32>
    %add3A_673 = arith.constant 63 : i32
    %add3A_674 = vector.broadcast %add3A_673 : i32 to vector<16xi32>
    %add3A_675 = arith.addi %select_n3A_672, %add3A_674 : vector<16xi32>
    %min3A_676 = arith.constant 1024 : i32
    %min3A_677 = vector.broadcast %min3A_676 : i32 to vector<16xi32>
    %min3A_678 = arith.minsi %add3A_675, %min3A_677 : vector<16xi32>
    %gather3A_679 = tpu.vector_load_idx %arg5[%min3A_678] : memref<1040xi32, #tpu.memory_space<vmem>>[vector<16xi32>], vector<16xi32>,
    %lt3A_680 = arith.constant 1025 : i32
    %lt3A_681 = vector.broadcast %lt3A_680 : i32 to vector<16xi32>
    %lt3A_682 = arith.cmpi slt, %add3A_675, %lt3A_681 : vector<16xi32>
    %lt3A_683 = arith.cmpi slt, %gather3A_679, %select_n3A_606 : vector<16xi32>
    %and3A_684 = arith.andi %lt3A_682, %lt3A_683 : vector<16xi1>
    %add3A_685 = arith.constant 64 : i32
    %add3A_686 = vector.broadcast %add3A_685 : i32 to vector<16xi32>
    %add3A_687 = arith.addi %select_n3A_672, %add3A_686 : vector<16xi32>
    %select_n3A_688 = arith.select %and3A_684, %add3A_687, %select_n3A_672 : vector<16xi1>, vector<16xi32>
    %add3A_689 = arith.constant 31 : i32
    %add3A_690 = vector.broadcast %add3A_689 : i32 to vector<16xi32>
    %add3A_691 = arith.addi %select_n3A_688, %add3A_690 : vector<16xi32>
    %min3A_692 = arith.constant 1024 : i32
    %min3A_693 = vector.broadcast %min3A_692 : i32 to vector<16xi32>
    %min3A_694 = arith.minsi %add3A_691, %min3A_693 : vector<16xi32>
    %gather3A_695 = tpu.vector_load_idx %arg5[%min3A_694] : memref<1040xi32, #tpu.memory_space<vmem>>[vector<16xi32>], vector<16xi32>,
    %lt3A_696 = arith.constant 1025 : i32
    %lt3A_697 = vector.broadcast %lt3A_696 : i32 to vector<16xi32>
    %lt3A_698 = arith.cmpi slt, %add3A_691, %lt3A_697 : vector<16xi32>
    %lt3A_699 = arith.cmpi slt, %gather3A_695, %select_n3A_606 : vector<16xi32>
    %and3A_700 = arith.andi %lt3A_698, %lt3A_699 : vector<16xi1>
    %add3A_701 = arith.constant 32 : i32
    %add3A_702 = vector.broadcast %add3A_701 : i32 to vector<16xi32>
    %add3A_703 = arith.addi %select_n3A_688, %add3A_702 : vector<16xi32>
    %select_n3A_704 = arith.select %and3A_700, %add3A_703, %select_n3A_688 : vector<16xi1>, vector<16xi32>
    %add3A_705 = arith.constant 15 : i32
    %add3A_706 = vector.broadcast %add3A_705 : i32 to vector<16xi32>
    %add3A_707 = arith.addi %select_n3A_704, %add3A_706 : vector<16xi32>
    %min3A_708 = arith.constant 1024 : i32
    %min3A_709 = vector.broadcast %min3A_708 : i32 to vector<16xi32>
    %min3A_710 = arith.minsi %add3A_707, %min3A_709 : vector<16xi32>
    %gather3A_711 = tpu.vector_load_idx %arg5[%min3A_710] : memref<1040xi32, #tpu.memory_space<vmem>>[vector<16xi32>], vector<16xi32>,
    %lt3A_712 = arith.constant 1025 : i32
    %lt3A_713 = vector.broadcast %lt3A_712 : i32 to vector<16xi32>
    %lt3A_714 = arith.cmpi slt, %add3A_707, %lt3A_713 : vector<16xi32>
    %lt3A_715 = arith.cmpi slt, %gather3A_711, %select_n3A_606 : vector<16xi32>
    %and3A_716 = arith.andi %lt3A_714, %lt3A_715 : vector<16xi1>
    %add3A_717 = arith.constant 16 : i32
    %add3A_718 = vector.broadcast %add3A_717 : i32 to vector<16xi32>
    %add3A_719 = arith.addi %select_n3A_704, %add3A_718 : vector<16xi32>
    %select_n3A_720 = arith.select %and3A_716, %add3A_719, %select_n3A_704 : vector<16xi1>, vector<16xi32>
    %add3A_721 = arith.constant 7 : i32
    %add3A_722 = vector.broadcast %add3A_721 : i32 to vector<16xi32>
    %add3A_723 = arith.addi %select_n3A_720, %add3A_722 : vector<16xi32>
    %min3A_724 = arith.constant 1024 : i32
    %min3A_725 = vector.broadcast %min3A_724 : i32 to vector<16xi32>
    %min3A_726 = arith.minsi %add3A_723, %min3A_725 : vector<16xi32>
    %gather3A_727 = tpu.vector_load_idx %arg5[%min3A_726] : memref<1040xi32, #tpu.memory_space<vmem>>[vector<16xi32>], vector<16xi32>,
    %lt3A_728 = arith.constant 1025 : i32
    %lt3A_729 = vector.broadcast %lt3A_728 : i32 to vector<16xi32>
    %lt3A_730 = arith.cmpi slt, %add3A_723, %lt3A_729 : vector<16xi32>
    %lt3A_731 = arith.cmpi slt, %gather3A_727, %select_n3A_606 : vector<16xi32>
    %and3A_732 = arith.andi %lt3A_730, %lt3A_731 : vector<16xi1>
    %add3A_733 = arith.constant 8 : i32
    %add3A_734 = vector.broadcast %add3A_733 : i32 to vector<16xi32>
    %add3A_735 = arith.addi %select_n3A_720, %add3A_734 : vector<16xi32>
    %select_n3A_736 = arith.select %and3A_732, %add3A_735, %select_n3A_720 : vector<16xi1>, vector<16xi32>
    %add3A_737 = arith.constant 3 : i32
    %add3A_738 = vector.broadcast %add3A_737 : i32 to vector<16xi32>
    %add3A_739 = arith.addi %select_n3A_736, %add3A_738 : vector<16xi32>
    %min3A_740 = arith.constant 1024 : i32
    %min3A_741 = vector.broadcast %min3A_740 : i32 to vector<16xi32>
    %min3A_742 = arith.minsi %add3A_739, %min3A_741 : vector<16xi32>
    %gather3A_743 = tpu.vector_load_idx %arg5[%min3A_742] : memref<1040xi32, #tpu.memory_space<vmem>>[vector<16xi32>], vector<16xi32>,
    %lt3A_744 = arith.constant 1025 : i32
    %lt3A_745 = vector.broadcast %lt3A_744 : i32 to vector<16xi32>
    %lt3A_746 = arith.cmpi slt, %add3A_739, %lt3A_745 : vector<16xi32>
    %lt3A_747 = arith.cmpi slt, %gather3A_743, %select_n3A_606 : vector<16xi32>
    %and3A_748 = arith.andi %lt3A_746, %lt3A_747 : vector<16xi1>
    %add3A_749 = arith.constant 4 : i32
    %add3A_750 = vector.broadcast %add3A_749 : i32 to vector<16xi32>
    %add3A_751 = arith.addi %select_n3A_736, %add3A_750 : vector<16xi32>
    %select_n3A_752 = arith.select %and3A_748, %add3A_751, %select_n3A_736 : vector<16xi1>, vector<16xi32>
    %add3A_753 = arith.constant 1 : i32
    %add3A_754 = vector.broadcast %add3A_753 : i32 to vector<16xi32>
    %add3A_755 = arith.addi %select_n3A_752, %add3A_754 : vector<16xi32>
    %min3A_756 = arith.constant 1024 : i32
    %min3A_757 = vector.broadcast %min3A_756 : i32 to vector<16xi32>
    %min3A_758 = arith.minsi %add3A_755, %min3A_757 : vector<16xi32>
    %gather3A_759 = tpu.vector_load_idx %arg5[%min3A_758] : memref<1040xi32, #tpu.memory_space<vmem>>[vector<16xi32>], vector<16xi32>,
    %lt3A_760 = arith.constant 1025 : i32
    %lt3A_761 = vector.broadcast %lt3A_760 : i32 to vector<16xi32>
    %lt3A_762 = arith.cmpi slt, %add3A_755, %lt3A_761 : vector<16xi32>
    %lt3A_763 = arith.cmpi slt, %gather3A_759, %select_n3A_606 : vector<16xi32>
    %and3A_764 = arith.andi %lt3A_762, %lt3A_763 : vector<16xi1>
    %add3A_765 = arith.constant 2 : i32
    %add3A_766 = vector.broadcast %add3A_765 : i32 to vector<16xi32>
    %add3A_767 = arith.addi %select_n3A_752, %add3A_766 : vector<16xi32>
    %select_n3A_768 = arith.select %and3A_764, %add3A_767, %select_n3A_752 : vector<16xi1>, vector<16xi32>
    %add3A_769 = arith.constant 0 : i32
    %add3A_770 = vector.broadcast %add3A_769 : i32 to vector<16xi32>
    %add3A_771 = arith.addi %select_n3A_768, %add3A_770 : vector<16xi32>
    %min3A_772 = arith.constant 1024 : i32
    %min3A_773 = vector.broadcast %min3A_772 : i32 to vector<16xi32>
    %min3A_774 = arith.minsi %add3A_771, %min3A_773 : vector<16xi32>
    %gather3A_775 = tpu.vector_load_idx %arg5[%min3A_774] : memref<1040xi32, #tpu.memory_space<vmem>>[vector<16xi32>], vector<16xi32>,
    %lt3A_776 = arith.constant 1025 : i32
    %lt3A_777 = vector.broadcast %lt3A_776 : i32 to vector<16xi32>
    %lt3A_778 = arith.cmpi slt, %add3A_771, %lt3A_777 : vector<16xi32>
    %lt3A_779 = arith.cmpi slt, %gather3A_775, %select_n3A_606 : vector<16xi32>
    %and3A_780 = arith.andi %lt3A_778, %lt3A_779 : vector<16xi1>
    %add3A_781 = arith.constant 1 : i32
    %add3A_782 = vector.broadcast %add3A_781 : i32 to vector<16xi32>
    %add3A_783 = arith.addi %select_n3A_768, %add3A_782 : vector<16xi32>
    %select_n3A_784 = arith.select %and3A_780, %add3A_783, %select_n3A_768 : vector<16xi1>, vector<16xi32>
    %sub3A_785 = arith.constant 1 : i32
    %sub3A_786 = vector.broadcast %sub3A_785 : i32 to vector<16xi32>
    %sub3A_787 = arith.subi %select_n3A_784, %sub3A_786 : vector<16xi32>
    %max3A_788 = arith.constant 0 : i32
    %max3A_789 = vector.broadcast %max3A_788 : i32 to vector<16xi32>
    %max3A_790 = arith.maxsi %sub3A_787, %max3A_789 : vector<16xi32>
    %min3A_791 = arith.constant 1024 : i32
    %min3A_792 = vector.broadcast %min3A_791 : i32 to vector<16xi32>
    %min3A_793 = arith.minsi %select_n3A_784, %min3A_792 : vector<16xi32>
    %gather3A_794 = tpu.vector_load_idx %arg5[%max3A_790] : memref<1040xi32, #tpu.memory_space<vmem>>[vector<16xi32>], vector<16xi32>,
    %gather3A_795 = tpu.vector_load_idx %arg5[%min3A_793] : memref<1040xi32, #tpu.memory_space<vmem>>[vector<16xi32>], vector<16xi32>,
    %sub3A_796 = arith.subi %select_n3A_606, %gather3A_794 : vector<16xi32>
    %sub3A_797 = arith.subi %gather3A_795, %select_n3A_606 : vector<16xi32>
    %le3A_798 = arith.cmpi sle, %sub3A_796, %sub3A_797 : vector<16xi32>
    %select_n3A_799 = arith.select %le3A_798, %max3A_790, %min3A_793 : vector<16xi1>, vector<16xi32>
    %eq3A_800 = arith.constant 0 : i32
    %eq3A_801 = vector.broadcast %eq3A_800 : i32 to vector<16xi32>
    %eq3A_802 = arith.cmpi eq, %iota3A, %eq3A_801 : vector<16xi32>
    %jit3A_803 = arith.constant 1024 : i32
    %broadcast_in_dim3A_804 = vector.broadcast %jit3A_803 : i32 to vector<16xi32>
    %select_n3A_805 = arith.select %eq3A_802, %broadcast_in_dim3A_804, %select_n3A_799 : vector<16xi1>, vector<16xi32>
    %broadcast_in_dim3A_806 = arith.constant true
    %broadcast_in_dim3A_807 = vector.broadcast %broadcast_in_dim3A_806 : i1 to vector<16xi1>
    %masked_cummax3A_808 = arith.constant -2147483648 : i32
    %masked_cummax3A_809 = vector.broadcast %masked_cummax3A_808 : i32 to vector<16xi32>
    %masked_cummax3A_810 = arith.xori %select_n3A_805, %masked_cummax3A_809 : vector<16xi32>
    %masked_cummax3A_811 = tpu.scan <max>, %masked_cummax3A_810 masked %broadcast_in_dim3A_807 : vector<16xi32>, vector<16xi1> -> vector<16xi32>
    %masked_cummax3A_812 = arith.xori %masked_cummax3A_811, %masked_cummax3A_809 : vector<16xi32>
    %max3A_813 = vector.broadcast %squeeze3A_522 : i32 to vector<16xi32>
    %max3A_814 = arith.maxsi %masked_cummax3A_812, %max3A_813 : vector<16xi32>
    %slice3A_815 = vector.extract_strided_slice %max3A_814 {offsets = [15], sizes = [1], strides = [1]} : vector<16xi32> to vector<1xi32>
    %squeeze3A_816 = vector.extract %slice3A_815[0] : i32 from vector<1xi32>
    %sub3A_817 = arith.constant 32 : i32
    %sub3A_818 = vector.broadcast %sub3A_817 : i32 to vector<16xi32>
    %sub3A_819 = arith.subi %sub3A_818, %add3A_572 : vector<16xi32>
    %mul3A_820 = arith.constant 64 : i32
    %mul3A_821 = vector.broadcast %mul3A_820 : i32 to vector<16xi32>
    %mul3A_822 = arith.muli %mul3A_821, %sub3A_819 : vector<16xi32>
    %sub3A_823 = arith.constant 1024 : i32
    %sub3A_824 = vector.broadcast %sub3A_823 : i32 to vector<16xi32>
    %sub3A_825 = arith.subi %sub3A_824, %mul3A_822 : vector<16xi32>
    %max3A_826 = arith.constant 0 : i32
    %max3A_827 = vector.broadcast %max3A_826 : i32 to vector<16xi32>
    %max3A_828 = arith.maxsi %max3A_827, %sub3A_825 : vector<16xi32>
    %mul3A_829 = arith.constant 64 : i32
    %mul3A_830 = vector.broadcast %mul3A_829 : i32 to vector<16xi32>
    %mul3A_831 = arith.muli %mul3A_830, %add3A_572 : vector<16xi32>
    %min3A_832 = arith.constant 1024 : i32
    %min3A_833 = vector.broadcast %min3A_832 : i32 to vector<16xi32>
    %min3A_834 = arith.minsi %min3A_833, %mul3A_831 : vector<16xi32>
    %max3A_835 = arith.maxsi %max3A_828, %max3A_814 : vector<16xi32>
    %min3A_836 = arith.minsi %min3A_834, %max3A_835 : vector<16xi32>
    %mul3A_837 = arith.constant 64 : i32
    %mul3A_838 = vector.broadcast %mul3A_837 : i32 to vector<16xi32>
    %mul3A_839 = arith.muli %mul3A_838, %add3A_572 : vector<16xi32>
    %sub3A_840 = arith.subi %min3A_836, %mul3A_839 : vector<16xi32>
    %sub3A_841 = arith.constant 0 : i32
    %sub3A_842 = vector.broadcast %sub3A_841 : i32 to vector<16xi32>
    %sub3A_843 = arith.subi %sub3A_842, %sub3A_840 : vector<16xi32>
    %broadcast_in_dim3A_844 = arith.constant true
    %broadcast_in_dim3A_845 = vector.broadcast %broadcast_in_dim3A_844 : i1 to vector<16xi1>
    %masked_cummax3A_846 = arith.constant -2147483648 : i32
    %masked_cummax3A_847 = vector.broadcast %masked_cummax3A_846 : i32 to vector<16xi32>
    %masked_cummax3A_848 = arith.xori %sub3A_843, %masked_cummax3A_847 : vector<16xi32>
    %masked_cummax3A_849 = tpu.scan <max>, %masked_cummax3A_848 masked %broadcast_in_dim3A_845 : vector<16xi32>, vector<16xi1> -> vector<16xi32>
    %masked_cummax3A_850 = arith.xori %masked_cummax3A_849, %masked_cummax3A_847 : vector<16xi32>
    %sub3A_851 = arith.constant 0 : i32
    %sub3A_852 = vector.broadcast %sub3A_851 : i32 to vector<16xi32>
    %sub3A_853 = arith.subi %sub3A_852, %masked_cummax3A_850 : vector<16xi32>
    %min3A_854 = vector.broadcast %squeeze3A_563 : i32 to vector<16xi32>
    %min3A_855 = arith.minsi %sub3A_853, %min3A_854 : vector<16xi32>
    %slice3A_856 = vector.extract_strided_slice %min3A_855 {offsets = [15], sizes = [1], strides = [1]} : vector<16xi32> to vector<1xi32>
    %squeeze3A_857 = vector.extract %slice3A_856[0] : i32 from vector<1xi32>
    %mul3A_858 = arith.constant 64 : i32
    %mul3A_859 = vector.broadcast %mul3A_858 : i32 to vector<16xi32>
    %mul3A_860 = arith.muli %mul3A_859, %add3A_572 : vector<16xi32>
    %add3A_861 = arith.addi %mul3A_860, %min3A_855 : vector<16xi32>
    %swap3A_862 = arith.constant 32 : index
    %swap3A_863 = tpu.vector_load %arg6[%swap3A_862] {strides = array<i32>} : memref<48xi32, #tpu.memory_space<vmem>>, vector<16xi32>,
    tpu.vector_store %arg6[%swap3A_862], %add3A_861 {strides = array<i32>} : memref<48xi32, #tpu.memory_space<vmem>>, vector<16xi32>,
    %get3A = arith.index_cast %add3A : i32 to index
    %get3A_864 = tpu.vector_load %arg6[%get3A] {strides = array<i32>} : memref<48xi32, #tpu.memory_space<vmem>>, vector<16xi32>,
    %slice3A_865 = vector.extract_strided_slice %get3A_864 {offsets = [0], sizes = [1], strides = [1]} : vector<16xi32> to vector<1xi32>
    %squeeze3A_866 = vector.extract %slice3A_865[0] : i32 from vector<1xi32>
    %slice3A_867 = vector.extract_strided_slice %get3A_864 {offsets = [1], sizes = [1], strides = [1]} : vector<16xi32> to vector<1xi32>
    %squeeze3A_868 = vector.extract %slice3A_867[0] : i32 from vector<1xi32>
    %sub3A_869 = arith.subi %squeeze3A_868, %squeeze3A_866 : i32
    %get3A_870 = arith.index_cast %squeeze3A_866 : i32 to index
    %get3A_871 = tpu.vector_load %arg5[%get3A_870] {strides = array<i32>} : memref<1040xi32, #tpu.memory_space<vmem>>, vector<16xi32>,
    %slice3A_872 = vector.extract_strided_slice %get3A_871 {offsets = [0], sizes = [1], strides = [1]} : vector<16xi32> to vector<1xi32>
    %squeeze3A_873 = vector.extract %slice3A_872[0] : i32 from vector<1xi32>
    %get3A_874 = arith.index_cast %squeeze3A_868 : i32 to index
    %get3A_875 = tpu.vector_load %arg5[%get3A_874] {strides = array<i32>} : memref<1040xi32, #tpu.memory_space<vmem>>, vector<16xi32>,
    %slice3A_876 = vector.extract_strided_slice %get3A_875 {offsets = [0], sizes = [1], strides = [1]} : vector<16xi32> to vector<1xi32>
    %squeeze3A_877 = vector.extract %slice3A_876[0] : i32 from vector<1xi32>
    %sub3A_878 = arith.subi %squeeze3A_877, %squeeze3A_873 : i32
    %jit3A_879 = arith.constant 8 : i32
    %div3A_880 = arith.divsi %squeeze3A_873, %jit3A_879 : i32
    %sign3A_881 = arith.constant 0 : i32
    %sign3A_882 = arith.cmpi sgt, %squeeze3A_873, %sign3A_881 : i32
    %sign3A_883 = arith.extui %sign3A_882 : i1 to i32
    %sign3A_884 = arith.constant 0 : i32
    %sign3A_885 = arith.cmpi slt, %squeeze3A_873, %sign3A_884 : i32
    %sign3A_886 = arith.extui %sign3A_885 : i1 to i32
    %sign3A_887 = arith.subi %sign3A_883, %sign3A_886 : i32
    %sign3A_888 = arith.constant 0 : i32
    %sign3A_889 = arith.cmpi sgt, %jit3A_879, %sign3A_888 : i32
    %sign3A_890 = arith.extui %sign3A_889 : i1 to i32
    %sign3A_891 = arith.constant 0 : i32
    %sign3A_892 = arith.cmpi slt, %jit3A_879, %sign3A_891 : i32
    %sign3A_893 = arith.extui %sign3A_892 : i1 to i32
    %sign3A_894 = arith.subi %sign3A_890, %sign3A_893 : i32
    %ne3A_895 = arith.cmpi ne, %sign3A_887, %sign3A_894 : i32
    %rem3A_896 = arith.remsi %squeeze3A_873, %jit3A_879 : i32
    %ne3A_897 = arith.constant 0 : i32
    %ne3A_898 = arith.cmpi ne, %rem3A_896, %ne3A_897 : i32
    %and3A_899 = arith.andi %ne3A_895, %ne3A_898 : i1
    %sub3A_900 = arith.constant 1 : i32
    %sub3A_901 = arith.subi %div3A_880, %sub3A_900 : i32
    %select_n3A_902 = arith.select %and3A_899, %sub3A_901, %div3A_880 : i32
    %mul3A_903 = arith.constant 8 : i32
    %mul3A_904 = arith.muli %select_n3A_902, %mul3A_903 : i32
    %add3A_905 = arith.constant 16383 : i32
    %add3A_906 = arith.addi %sub3A_878, %add3A_905 : i32
    %jit3A_907 = arith.constant 16384 : i32
    %div3A_908 = arith.divsi %add3A_906, %jit3A_907 : i32
    %sign3A_909 = arith.constant 0 : i32
    %sign3A_910 = arith.cmpi sgt, %add3A_906, %sign3A_909 : i32
    %sign3A_911 = arith.extui %sign3A_910 : i1 to i32
    %sign3A_912 = arith.constant 0 : i32
    %sign3A_913 = arith.cmpi slt, %add3A_906, %sign3A_912 : i32
    %sign3A_914 = arith.extui %sign3A_913 : i1 to i32
    %sign3A_915 = arith.subi %sign3A_911, %sign3A_914 : i32
    %sign3A_916 = arith.constant 0 : i32
    %sign3A_917 = arith.cmpi sgt, %jit3A_907, %sign3A_916 : i32
    %sign3A_918 = arith.extui %sign3A_917 : i1 to i32
    %sign3A_919 = arith.constant 0 : i32
    %sign3A_920 = arith.cmpi slt, %jit3A_907, %sign3A_919 : i32
    %sign3A_921 = arith.extui %sign3A_920 : i1 to i32
    %sign3A_922 = arith.subi %sign3A_918, %sign3A_921 : i32
    %ne3A_923 = arith.cmpi ne, %sign3A_915, %sign3A_922 : i32
    %rem3A_924 = arith.remsi %add3A_906, %jit3A_907 : i32
    %ne3A_925 = arith.constant 0 : i32
    %ne3A_926 = arith.cmpi ne, %rem3A_924, %ne3A_925 : i32
    %and3A_927 = arith.andi %ne3A_923, %ne3A_926 : i1
    %sub3A_928 = arith.constant 1 : i32
    %sub3A_929 = arith.subi %div3A_908, %sub3A_928 : i32
    %select_n3A_930 = arith.select %and3A_927, %sub3A_929, %div3A_908 : i32
    %gt3A = arith.constant 0 : i32
    %gt3A_931 = arith.cmpi sgt, %select_n3A_930, %gt3A : i32
    %convert_element_type3A = arith.extui %gt3A_931 : i1 to i32
    %cond3A = arith.constant 0 : i32
    %cond3A_932 = arith.cmpi ne, %convert_element_type3A, %cond3A : i32
    scf.if %cond3A_932 {
      %mul3A_998 = arith.constant 0 : i32
      %mul3A_999 = arith.constant 16384 : i32
      %mul3A_1000 = arith.muli %mul3A_998, %mul3A_999 : i32
      %add3A_1001 = arith.addi %mul3A_904, %mul3A_1000 : i32
      %min3A_1002 = arith.constant 8372216 : i32
      %min3A_1003 = arith.minsi %add3A_1001, %min3A_1002 : i32
      %dma_start3A = arith.constant 0 : i32
      %dma_start3A_1004 = tpu.memref_slice %arg7[%dma_start3A] : memref<16408xi32, #tpu.memory_space<vmem>> -> memref<16392xi32, #tpu.memory_space<vmem>>
      %dma_start3A_1005 = tpu.memref_slice %arg2[%min3A_1003] : memref<8388608xi32, #tpu.memory_space<hbm>> -> memref<16392xi32, #tpu.memory_space<hbm>>
      %dma_start3A_1006 = arith.constant 0 : i32
      %dma_start3A_1007 = tpu.memref_slice %arg7[%dma_start3A_1006] : memref<16408xi32, #tpu.memory_space<vmem>> -> memref<16392xi32, #tpu.memory_space<vmem>>
      %dma_start3A_1008 = tpu.memref_slice %arg2[%min3A_1003] : memref<8388608xi32, #tpu.memory_space<hbm>> -> memref<16392xi32, #tpu.memory_space<hbm>>
      tpu.enqueue_dma source(%dma_start3A_1008 : memref<16392xi32, #tpu.memory_space<hbm>>) target(%dma_start3A_1007 : memref<16392xi32, #tpu.memory_space<vmem>>) target_semaphore(%arg10 : memref<!tpu.dma_semaphore, #tpu.memory_space<semaphore_mem>>)
    } else {
    }
    %gt3A_933 = arith.constant 1 : i32
    %gt3A_934 = arith.cmpi sgt, %select_n3A_930, %gt3A_933 : i32
    %convert_element_type3A_935 = arith.extui %gt3A_934 : i1 to i32
    %cond3A_936 = arith.constant 0 : i32
    %cond3A_937 = arith.cmpi ne, %convert_element_type3A_935, %cond3A_936 : i32
    scf.if %cond3A_937 {
      %mul3A_998 = arith.constant 1 : i32
      %mul3A_999 = arith.constant 16384 : i32
      %mul3A_1000 = arith.muli %mul3A_998, %mul3A_999 : i32
      %add3A_1001 = arith.addi %mul3A_904, %mul3A_1000 : i32
      %min3A_1002 = arith.constant 8372216 : i32
      %min3A_1003 = arith.minsi %add3A_1001, %min3A_1002 : i32
      %dma_start3A = arith.constant 0 : i32
      %dma_start3A_1004 = tpu.memref_slice %arg8[%dma_start3A] : memref<16408xi32, #tpu.memory_space<vmem>> -> memref<16392xi32, #tpu.memory_space<vmem>>
      %dma_start3A_1005 = tpu.memref_slice %arg2[%min3A_1003] : memref<8388608xi32, #tpu.memory_space<hbm>> -> memref<16392xi32, #tpu.memory_space<hbm>>
      %dma_start3A_1006 = arith.constant 0 : i32
      %dma_start3A_1007 = tpu.memref_slice %arg8[%dma_start3A_1006] : memref<16408xi32, #tpu.memory_space<vmem>> -> memref<16392xi32, #tpu.memory_space<vmem>>
      %dma_start3A_1008 = tpu.memref_slice %arg2[%min3A_1003] : memref<8388608xi32, #tpu.memory_space<hbm>> -> memref<16392xi32, #tpu.memory_space<hbm>>
      tpu.enqueue_dma source(%dma_start3A_1008 : memref<16392xi32, #tpu.memory_space<hbm>>) target(%dma_start3A_1007 : memref<16392xi32, #tpu.memory_space<vmem>>) target_semaphore(%arg11 : memref<!tpu.dma_semaphore, #tpu.memory_space<semaphore_mem>>)
    } else {
    }
    %mul3A_938 = arith.constant 1024 : i32
    %mul3A_939 = arith.muli %sub3A_869, %mul3A_938 : i32
    %parallel_loop3A = arith.constant 0 : i32
    %parallel_loop3A_940 = arith.constant 16 : i32
    scf.for %parallel_loop3A_998 = %parallel_loop3A to %mul3A_939 step %parallel_loop3A_940  : i32 {
      %parallel_loop3A_999 = arith.index_cast %parallel_loop3A_998 : i32 to index
      %parallel_loop3A_1000 = tpu.vector_load %arg9[%parallel_loop3A_999] {strides = array<i32>} : memref<67584xf32, #tpu.memory_space<vmem>>, vector<16xf32>,
      tpu.vector_store %arg9[%parallel_loop3A_999], %broadcast_in_dim3A_1 {strides = array<i32>} : memref<67584xf32, #tpu.memory_space<vmem>>, vector<16xf32>,
    } {sc.loop_unroll_factor = 8 : i64, sc.parallel_access}
    %add3A_941 = arith.constant 1 : i32
    %add3A_942 = arith.addi %select_n3A_930, %add3A_941 : i32
    %jit3A_943 = arith.constant 2 : i32
    %div3A_944 = arith.divsi %add3A_942, %jit3A_943 : i32
    %sign3A_945 = arith.constant 0 : i32
    %sign3A_946 = arith.cmpi sgt, %add3A_942, %sign3A_945 : i32
    %sign3A_947 = arith.extui %sign3A_946 : i1 to i32
    %sign3A_948 = arith.constant 0 : i32
    %sign3A_949 = arith.cmpi slt, %add3A_942, %sign3A_948 : i32
    %sign3A_950 = arith.extui %sign3A_949 : i1 to i32
    %sign3A_951 = arith.subi %sign3A_947, %sign3A_950 : i32
    %sign3A_952 = arith.constant 0 : i32
    %sign3A_953 = arith.cmpi sgt, %jit3A_943, %sign3A_952 : i32
    %sign3A_954 = arith.extui %sign3A_953 : i1 to i32
    %sign3A_955 = arith.constant 0 : i32
    %sign3A_956 = arith.cmpi slt, %jit3A_943, %sign3A_955 : i32
    %sign3A_957 = arith.extui %sign3A_956 : i1 to i32
    %sign3A_958 = arith.subi %sign3A_954, %sign3A_957 : i32
    %ne3A_959 = arith.cmpi ne, %sign3A_951, %sign3A_958 : i32
    %rem3A_960 = arith.remsi %add3A_942, %jit3A_943 : i32
    %ne3A_961 = arith.constant 0 : i32
    %ne3A_962 = arith.cmpi ne, %rem3A_960, %ne3A_961 : i32
    %and3A_963 = arith.andi %ne3A_959, %ne3A_962 : i1
    %sub3A_964 = arith.constant 1 : i32
    %sub3A_965 = arith.subi %div3A_944, %sub3A_964 : i32
    %select_n3A_966 = arith.select %and3A_963, %sub3A_965, %div3A_944 : i32
    %while3A = arith.constant 1024 : i32
    %while3A_967 = arith.constant 0 : i32
    %while3A_968 = arith.constant 0 : i32
    %while3A_969 = arith.subi %select_n3A_966, %while3A_967 : i32
    %while3A_970 = arith.addi %while3A_967, %while3A_969 : i32
    %while3A_971 = arith.constant 1 : i32
    %while3A_972 = arith.divsi %while3A_969, %while3A_971 : i32
    %while3A_973 = arith.muli %while3A_972, %while3A_971 : i32
    %while3A_974 = arith.addi %while3A_967, %while3A_973 : i32
    %while3A_975 = arith.constant 1 : i32
    %while3A_976 = scf.for %while3A_998 = %while3A_967 to %while3A_974 step %while3A_975 iter_args(%while3A_999 = %while3A_968) -> (i32)  : i32 {
      %mul3A_1000 = arith.constant 2 : i32
      %mul3A_1001 = arith.muli %mul3A_1000, %while3A_998 : i32
      %dma_wait3A = arith.constant 0 : i32
      %dma_wait3A_1002 = tpu.memref_slice %arg7[%dma_wait3A] : memref<16408xi32, #tpu.memory_space<vmem>> -> memref<16392xi32, #tpu.memory_space<vmem>>
      %dma_wait3A_1003 = arith.constant 0 : i32
      %dma_wait3A_1004 = tpu.memref_slice %arg2[%dma_wait3A_1003] : memref<8388608xi32, #tpu.memory_space<hbm>> -> memref<16392xi32, #tpu.memory_space<hbm>>
      %dma_wait3A_1005 = arith.constant 0 : i32
      %dma_wait3A_1006 = tpu.memref_slice %arg7[%dma_wait3A_1005] : memref<16408xi32, #tpu.memory_space<vmem>> -> memref<16392xi32, #tpu.memory_space<vmem>>
      %dma_wait3A_1007 = arith.constant 0 : i32
      %dma_wait3A_1008 = tpu.memref_slice %arg2[%dma_wait3A_1007] : memref<8388608xi32, #tpu.memory_space<hbm>> -> memref<16392xi32, #tpu.memory_space<hbm>>
      tpu.wait_dma2 semaphore(%arg10 : memref<!tpu.dma_semaphore, #tpu.memory_space<semaphore_mem>>) src(%dma_wait3A_1008 : memref<16392xi32, #tpu.memory_space<hbm>>) dst(%dma_wait3A_1006 : memref<16392xi32, #tpu.memory_space<vmem>>)
      %mul3A_1009 = arith.constant 16384 : i32
      %mul3A_1010 = arith.muli %mul3A_1001, %mul3A_1009 : i32
      %add3A_1011 = arith.addi %squeeze3A_873, %mul3A_1010 : i32
      %mul3A_1012 = arith.constant 16384 : i32
      %mul3A_1013 = arith.muli %mul3A_1001, %mul3A_1012 : i32
      %add3A_1014 = arith.addi %mul3A_904, %mul3A_1013 : i32
      %min3A_1015 = arith.constant 8372216 : i32
      %min3A_1016 = arith.minsi %add3A_1014, %min3A_1015 : i32
      %sub3A_1017 = arith.subi %add3A_1011, %min3A_1016 : i32
      %mul3A_1018 = arith.constant 16384 : i32
      %mul3A_1019 = arith.muli %mul3A_1001, %mul3A_1018 : i32
      %sub3A_1020 = arith.subi %sub3A_878, %mul3A_1019 : i32
      %min3A_1021 = arith.constant 16384 : i32
      %min3A_1022 = arith.minsi %sub3A_1020, %min3A_1021 : i32
      %add3A_1023 = arith.addi %add3A_1011, %min3A_1022 : i32
      %while3A_1024:2 = scf.while (%while3A_1038 = %add3A_1011, %while3A_1039 = %while3A_999) : (i32, i32) -> (i32, i32) {
        %lt3A_1040 = arith.cmpi slt, %while3A_1038, %add3A_1023 : i32
        scf.condition(%lt3A_1040) %while3A_1038, %while3A_1039 : i32, i32
      } do {
      ^bb0(%while3A_1038: i32, %while3A_1039: i32):
        %add3A_1040 = arith.addi %squeeze3A_866, %while3A_1039 : i32
        %add3A_1041 = arith.constant 1 : i32
        %add3A_1042 = arith.addi %add3A_1040, %add3A_1041 : i32
        %get3A_1043 = arith.index_cast %add3A_1042 : i32 to index
        %get3A_1044 = tpu.vector_load %arg5[%get3A_1043] {strides = array<i32>} : memref<1040xi32, #tpu.memory_space<vmem>>, vector<16xi32>,
        %slice3A_1045 = vector.extract_strided_slice %get3A_1044 {offsets = [0], sizes = [1], strides = [1]} : vector<16xi32> to vector<1xi32>
        %squeeze3A_1046 = vector.extract %slice3A_1045[0] : i32 from vector<1xi32>
        %min3A_1047 = arith.minsi %squeeze3A_1046, %add3A_1023 : i32
        %sub3A_1048 = arith.subi %min3A_1047, %while3A_1038 : i32
        %mul3A_1049 = arith.constant 1024 : i32
        %mul3A_1050 = arith.muli %while3A_1039, %mul3A_1049 : i32
        %sub3A_1051 = arith.subi %while3A_1038, %add3A_1011 : i32
        %add3A_1052 = arith.addi %sub3A_1017, %sub3A_1051 : i32
        %jit3A_1053 = arith.constant 16 : i32
        %div3A_1054 = arith.divsi %sub3A_1048, %jit3A_1053 : i32
        %sign3A_1055 = arith.constant 0 : i32
        %sign3A_1056 = arith.cmpi sgt, %sub3A_1048, %sign3A_1055 : i32
        %sign3A_1057 = arith.extui %sign3A_1056 : i1 to i32
        %sign3A_1058 = arith.constant 0 : i32
        %sign3A_1059 = arith.cmpi slt, %sub3A_1048, %sign3A_1058 : i32
        %sign3A_1060 = arith.extui %sign3A_1059 : i1 to i32
        %sign3A_1061 = arith.subi %sign3A_1057, %sign3A_1060 : i32
        %sign3A_1062 = arith.constant 0 : i32
        %sign3A_1063 = arith.cmpi sgt, %jit3A_1053, %sign3A_1062 : i32
        %sign3A_1064 = arith.extui %sign3A_1063 : i1 to i32
        %sign3A_1065 = arith.constant 0 : i32
        %sign3A_1066 = arith.cmpi slt, %jit3A_1053, %sign3A_1065 : i32
        %sign3A_1067 = arith.extui %sign3A_1066 : i1 to i32
        %sign3A_1068 = arith.subi %sign3A_1064, %sign3A_1067 : i32
        %ne3A_1069 = arith.cmpi ne, %sign3A_1061, %sign3A_1068 : i32
        %rem3A_1070 = arith.remsi %sub3A_1048, %jit3A_1053 : i32
        %ne3A_1071 = arith.constant 0 : i32
        %ne3A_1072 = arith.cmpi ne, %rem3A_1070, %ne3A_1071 : i32
        %and3A_1073 = arith.andi %ne3A_1069, %ne3A_1072 : i1
        %sub3A_1074 = arith.constant 1 : i32
        %sub3A_1075 = arith.subi %div3A_1054, %sub3A_1074 : i32
        %select_n3A_1076 = arith.select %and3A_1073, %sub3A_1075, %div3A_1054 : i32
        %parallel_loop3A_1077 = arith.constant 0 : i32
        %parallel_loop3A_1078 = arith.constant 1 : i32
        scf.for %parallel_loop3A_1095 = %parallel_loop3A_1077 to %select_n3A_1076 step %parallel_loop3A_1078  : i32 {
          %parallel_loop3A_1096 = arith.constant 16 : i32
          %parallel_loop3A_1097 = arith.muli %parallel_loop3A_1095, %parallel_loop3A_1096 : i32
          %parallel_loop3A_1098 = arith.addi %add3A_1052, %parallel_loop3A_1097 : i32
          %parallel_loop3A_1099 = arith.index_cast %parallel_loop3A_1098 : i32 to index
          %parallel_loop3A_1100 = tpu.vector_load %arg7[%parallel_loop3A_1099] {strides = array<i32>} : memref<16408xi32, #tpu.memory_space<vmem>>, vector<16xi32>,
          %parallel_loop3A_1101 = vector.bitcast %parallel_loop3A_1100 : vector<16xi32> to vector<16xi32>
          %parallel_loop3A_1102 = vector.broadcast %while3A : i32 to vector<16xi32>
          %parallel_loop3A_1103 = arith.cmpi ult, %parallel_loop3A_1101, %parallel_loop3A_1102 : vector<16xi32>
          %parallel_loop3A_1104 = vector.broadcast %mul3A_1050 : i32 to vector<16xi32>
          %parallel_loop3A_1105 = arith.addi %parallel_loop3A_1104, %parallel_loop3A_1100 : vector<16xi32>
          tpu.vector_store_idx %arg9[%parallel_loop3A_1105], %broadcast_in_dim3A_3 masked %parallel_loop3A_1103 {add = true} : memref<67584xf32, #tpu.memory_space<vmem>>[vector<16xi32>], vector<16xf32>, vector<16xi1>
        } {sc.loop_unroll_factor = 4 : i64, sc.parallel_access}
        %mul3A_1079 = arith.constant 16 : i32
        %mul3A_1080 = arith.muli %select_n3A_1076, %mul3A_1079 : i32
        %sub3A_1081 = arith.subi %sub3A_1048, %mul3A_1080 : i32
        %gt3A_1082 = arith.constant 0 : i32
        %gt3A_1083 = arith.cmpi sgt, %sub3A_1081, %gt3A_1082 : i32
        %convert_element_type3A_1084 = arith.extui %gt3A_1083 : i1 to i32
        %cond3A_1085 = arith.constant 0 : i32
        %cond3A_1086 = arith.cmpi ne, %convert_element_type3A_1084, %cond3A_1085 : i32
        scf.if %cond3A_1086 {
          %mul3A_1095 = arith.constant 16 : i32
          %mul3A_1096 = arith.muli %select_n3A_1076, %mul3A_1095 : i32
          %add3A_1097 = arith.addi %add3A_1052, %mul3A_1096 : i32
          %get3A_1098 = arith.index_cast %add3A_1097 : i32 to index
          %get3A_1099 = tpu.vector_load %arg7[%get3A_1098] {strides = array<i32>} : memref<16408xi32, #tpu.memory_space<vmem>>, vector<16xi32>,
          %bitcast3A = vector.bitcast %get3A_1099 : vector<16xi32> to vector<16xi32>
          %lt3A_1100 = vector.broadcast %while3A : i32 to vector<16xi32>
          %lt3A_1101 = arith.cmpi ult, %bitcast3A, %lt3A_1100 : vector<16xi32>
          %lt3A_1102 = vector.broadcast %sub3A_1081 : i32 to vector<16xi32>
          %lt3A_1103 = arith.cmpi slt, %iota3A, %lt3A_1102 : vector<16xi32>
          %and3A_1104 = arith.andi %lt3A_1101, %lt3A_1103 : vector<16xi1>
          %add3A_1105 = vector.broadcast %mul3A_1050 : i32 to vector<16xi32>
          %add3A_1106 = arith.addi %add3A_1105, %get3A_1099 : vector<16xi32>
          tpu.vector_store_idx %arg9[%add3A_1106], %broadcast_in_dim3A_3 masked %and3A_1104 {add = true} : memref<67584xf32, #tpu.memory_space<vmem>>[vector<16xi32>], vector<16xf32>, vector<16xi1>
        } else {
        }
        %le3A_1087 = arith.cmpi sle, %squeeze3A_1046, %add3A_1023 : i32
        %convert_element_type3A_1088 = arith.extui %le3A_1087 : i1 to i32
        %cond3A_1089 = arith.constant 0 : i32
        %cond3A_1090 = arith.cmpi ne, %convert_element_type3A_1088, %cond3A_1089 : i32
        scf.if %cond3A_1090 {
          %mul3A_1095 = arith.constant 1024 : i32
          %mul3A_1096 = arith.muli %while3A_1039, %mul3A_1095 : i32
          %add3A_1097 = arith.addi %squeeze3A_866, %while3A_1039 : i32
          %dma_start3A = tpu.memref_slice %arg9[%mul3A_1096] : memref<67584xf32, #tpu.memory_space<vmem>> -> memref<1024xf32, #tpu.memory_space<vmem>>
          %dma_start3A_1098 = arith.constant 0 : i32
          %dma_start3A_1099 = tpu.memref_slice %arg4[%add3A_1097, %dma_start3A_1098] : memref<1024x1024xf32, #tpu.memory_space<hbm>> -> memref<1x1024xf32, #tpu.memory_space<hbm>>
          %dma_start3A_1100 = tpu.memref_squeeze %dma_start3A_1099 : memref<1x1024xf32, #tpu.memory_space<hbm>> -> memref<1024xf32, #tpu.memory_space<hbm>>
          %dma_start3A_1101 = arith.constant 0 : i32
          %dma_start3A_1102 = tpu.memref_slice %arg4[%add3A_1097, %dma_start3A_1101] : memref<1024x1024xf32, #tpu.memory_space<hbm>> -> memref<1x1024xf32, #tpu.memory_space<hbm>>
          %dma_start3A_1103 = tpu.memref_squeeze %dma_start3A_1102 : memref<1x1024xf32, #tpu.memory_space<hbm>> -> memref<1024xf32, #tpu.memory_space<hbm>>
          %dma_start3A_1104 = tpu.memref_slice %arg9[%mul3A_1096] : memref<67584xf32, #tpu.memory_space<vmem>> -> memref<1024xf32, #tpu.memory_space<vmem>>
          tpu.enqueue_dma source(%dma_start3A_1104 : memref<1024xf32, #tpu.memory_space<vmem>>) target(%dma_start3A_1103 : memref<1024xf32, #tpu.memory_space<hbm>>) target_semaphore(%arg12 : memref<!tpu.dma_semaphore, #tpu.memory_space<semaphore_mem>>)
        } else {
        }
        %le3A_1091 = arith.cmpi sle, %squeeze3A_1046, %add3A_1023 : i32
        %add3A_1092 = arith.constant 1 : i32
        %add3A_1093 = arith.addi %while3A_1039, %add3A_1092 : i32
        %select_n3A_1094 = arith.select %le3A_1091, %add3A_1093, %while3A_1039 : i32
        scf.yield %min3A_1047, %select_n3A_1094 : i32, i32
      }
      %add3A_1025 = arith.constant 2 : i32
      %add3A_1026 = arith.addi %mul3A_1001, %add3A_1025 : i32
      %lt3A_1027 = arith.cmpi slt, %add3A_1026, %select_n3A_930 : i32
      %convert_element_type3A_1028 = arith.extui %lt3A_1027 : i1 to i32
      %cond3A_1029 = arith.constant 0 : i32
      %cond3A_1030 = arith.cmpi ne, %convert_element_type3A_1028, %cond3A_1029 : i32
      scf.if %cond3A_1030 {
        %add3A_1038 = arith.constant 2 : i32
        %add3A_1039 = arith.addi %mul3A_1001, %add3A_1038 : i32
        %mul3A_1040 = arith.constant 16384 : i32
        %mul3A_1041 = arith.muli %add3A_1039, %mul3A_1040 : i32
        %add3A_1042 = arith.addi %mul3A_904, %mul3A_1041 : i32
        %min3A_1043 = arith.constant 8372216 : i32
        %min3A_1044 = arith.minsi %add3A_1042, %min3A_1043 : i32
        %dma_start3A = arith.constant 0 : i32
        %dma_start3A_1045 = tpu.memref_slice %arg7[%dma_start3A] : memref<16408xi32, #tpu.memory_space<vmem>> -> memref<16392xi32, #tpu.memory_space<vmem>>
        %dma_start3A_1046 = tpu.memref_slice %arg2[%min3A_1044] : memref<8388608xi32, #tpu.memory_space<hbm>> -> memref<16392xi32, #tpu.memory_space<hbm>>
        %dma_start3A_1047 = arith.constant 0 : i32
        %dma_start3A_1048 = tpu.memref_slice %arg7[%dma_start3A_1047] : memref<16408xi32, #tpu.memory_space<vmem>> -> memref<16392xi32, #tpu.memory_space<vmem>>
        %dma_start3A_1049 = tpu.memref_slice %arg2[%min3A_1044] : memref<8388608xi32, #tpu.memory_space<hbm>> -> memref<16392xi32, #tpu.memory_space<hbm>>
        tpu.enqueue_dma source(%dma_start3A_1049 : memref<16392xi32, #tpu.memory_space<hbm>>) target(%dma_start3A_1048 : memref<16392xi32, #tpu.memory_space<vmem>>) target_semaphore(%arg10 : memref<!tpu.dma_semaphore, #tpu.memory_space<semaphore_mem>>)
      } else {
      }
      %add3A_1031 = arith.constant 1 : i32
      %add3A_1032 = arith.addi %mul3A_1001, %add3A_1031 : i32
      %lt3A_1033 = arith.cmpi slt, %add3A_1032, %select_n3A_930 : i32
      %convert_element_type3A_1034 = arith.extui %lt3A_1033 : i1 to i32
      %cond3A_1035 = arith.constant 0 : i32
      %cond3A_1036 = arith.cmpi ne, %convert_element_type3A_1034, %cond3A_1035 : i32
      %cond3A_1037 = scf.if %cond3A_1036 -> (i32) {
        %dma_wait3A_1038 = arith.constant 0 : i32
        %dma_wait3A_1039 = tpu.memref_slice %arg8[%dma_wait3A_1038] : memref<16408xi32, #tpu.memory_space<vmem>> -> memref<16392xi32, #tpu.memory_space<vmem>>
        %dma_wait3A_1040 = arith.constant 0 : i32
        %dma_wait3A_1041 = tpu.memref_slice %arg2[%dma_wait3A_1040] : memref<8388608xi32, #tpu.memory_space<hbm>> -> memref<16392xi32, #tpu.memory_space<hbm>>
        %dma_wait3A_1042 = arith.constant 0 : i32
        %dma_wait3A_1043 = tpu.memref_slice %arg8[%dma_wait3A_1042] : memref<16408xi32, #tpu.memory_space<vmem>> -> memref<16392xi32, #tpu.memory_space<vmem>>
        %dma_wait3A_1044 = arith.constant 0 : i32
        %dma_wait3A_1045 = tpu.memref_slice %arg2[%dma_wait3A_1044] : memref<8388608xi32, #tpu.memory_space<hbm>> -> memref<16392xi32, #tpu.memory_space<hbm>>
        tpu.wait_dma2 semaphore(%arg11 : memref<!tpu.dma_semaphore, #tpu.memory_space<semaphore_mem>>) src(%dma_wait3A_1045 : memref<16392xi32, #tpu.memory_space<hbm>>) dst(%dma_wait3A_1043 : memref<16392xi32, #tpu.memory_space<vmem>>)
        %add3A_1046 = arith.constant 1 : i32
        %add3A_1047 = arith.addi %mul3A_1001, %add3A_1046 : i32
        %mul3A_1048 = arith.constant 16384 : i32
        %mul3A_1049 = arith.muli %add3A_1047, %mul3A_1048 : i32
        %add3A_1050 = arith.addi %squeeze3A_873, %mul3A_1049 : i32
        %mul3A_1051 = arith.constant 16384 : i32
        %mul3A_1052 = arith.muli %add3A_1047, %mul3A_1051 : i32
        %add3A_1053 = arith.addi %mul3A_904, %mul3A_1052 : i32
        %min3A_1054 = arith.constant 8372216 : i32
        %min3A_1055 = arith.minsi %add3A_1053, %min3A_1054 : i32
        %sub3A_1056 = arith.subi %add3A_1050, %min3A_1055 : i32
        %mul3A_1057 = arith.constant 16384 : i32
        %mul3A_1058 = arith.muli %add3A_1047, %mul3A_1057 : i32
        %sub3A_1059 = arith.subi %sub3A_878, %mul3A_1058 : i32
        %min3A_1060 = arith.constant 16384 : i32
        %min3A_1061 = arith.minsi %sub3A_1059, %min3A_1060 : i32
        %add3A_1062 = arith.addi %add3A_1050, %min3A_1061 : i32
        %while3A_1063:2 = scf.while (%while3A_1070 = %add3A_1050, %while3A_1071 = %while3A_1024#1) : (i32, i32) -> (i32, i32) {
          %lt3A_1072 = arith.cmpi slt, %while3A_1070, %add3A_1062 : i32
          scf.condition(%lt3A_1072) %while3A_1070, %while3A_1071 : i32, i32
        } do {
        ^bb0(%while3A_1070: i32, %while3A_1071: i32):
          %add3A_1072 = arith.addi %squeeze3A_866, %while3A_1071 : i32
          %add3A_1073 = arith.constant 1 : i32
          %add3A_1074 = arith.addi %add3A_1072, %add3A_1073 : i32
          %get3A_1075 = arith.index_cast %add3A_1074 : i32 to index
          %get3A_1076 = tpu.vector_load %arg5[%get3A_1075] {strides = array<i32>} : memref<1040xi32, #tpu.memory_space<vmem>>, vector<16xi32>,
          %slice3A_1077 = vector.extract_strided_slice %get3A_1076 {offsets = [0], sizes = [1], strides = [1]} : vector<16xi32> to vector<1xi32>
          %squeeze3A_1078 = vector.extract %slice3A_1077[0] : i32 from vector<1xi32>
          %min3A_1079 = arith.minsi %squeeze3A_1078, %add3A_1062 : i32
          %sub3A_1080 = arith.subi %min3A_1079, %while3A_1070 : i32
          %mul3A_1081 = arith.constant 1024 : i32
          %mul3A_1082 = arith.muli %while3A_1071, %mul3A_1081 : i32
          %sub3A_1083 = arith.subi %while3A_1070, %add3A_1050 : i32
          %add3A_1084 = arith.addi %sub3A_1056, %sub3A_1083 : i32
          %jit3A_1085 = arith.constant 16 : i32
          %div3A_1086 = arith.divsi %sub3A_1080, %jit3A_1085 : i32
          %sign3A_1087 = arith.constant 0 : i32
          %sign3A_1088 = arith.cmpi sgt, %sub3A_1080, %sign3A_1087 : i32
          %sign3A_1089 = arith.extui %sign3A_1088 : i1 to i32
          %sign3A_1090 = arith.constant 0 : i32
          %sign3A_1091 = arith.cmpi slt, %sub3A_1080, %sign3A_1090 : i32
          %sign3A_1092 = arith.extui %sign3A_1091 : i1 to i32
          %sign3A_1093 = arith.subi %sign3A_1089, %sign3A_1092 : i32
          %sign3A_1094 = arith.constant 0 : i32
          %sign3A_1095 = arith.cmpi sgt, %jit3A_1085, %sign3A_1094 : i32
          %sign3A_1096 = arith.extui %sign3A_1095 : i1 to i32
          %sign3A_1097 = arith.constant 0 : i32
          %sign3A_1098 = arith.cmpi slt, %jit3A_1085, %sign3A_1097 : i32
          %sign3A_1099 = arith.extui %sign3A_1098 : i1 to i32
          %sign3A_1100 = arith.subi %sign3A_1096, %sign3A_1099 : i32
          %ne3A_1101 = arith.cmpi ne, %sign3A_1093, %sign3A_1100 : i32
          %rem3A_1102 = arith.remsi %sub3A_1080, %jit3A_1085 : i32
          %ne3A_1103 = arith.constant 0 : i32
          %ne3A_1104 = arith.cmpi ne, %rem3A_1102, %ne3A_1103 : i32
          %and3A_1105 = arith.andi %ne3A_1101, %ne3A_1104 : i1
          %sub3A_1106 = arith.constant 1 : i32
          %sub3A_1107 = arith.subi %div3A_1086, %sub3A_1106 : i32
          %select_n3A_1108 = arith.select %and3A_1105, %sub3A_1107, %div3A_1086 : i32
          %parallel_loop3A_1109 = arith.constant 0 : i32
          %parallel_loop3A_1110 = arith.constant 1 : i32
          scf.for %parallel_loop3A_1127 = %parallel_loop3A_1109 to %select_n3A_1108 step %parallel_loop3A_1110  : i32 {
            %parallel_loop3A_1128 = arith.constant 16 : i32
            %parallel_loop3A_1129 = arith.muli %parallel_loop3A_1127, %parallel_loop3A_1128 : i32
            %parallel_loop3A_1130 = arith.addi %add3A_1084, %parallel_loop3A_1129 : i32
            %parallel_loop3A_1131 = arith.index_cast %parallel_loop3A_1130 : i32 to index
            %parallel_loop3A_1132 = tpu.vector_load %arg8[%parallel_loop3A_1131] {strides = array<i32>} : memref<16408xi32, #tpu.memory_space<vmem>>, vector<16xi32>,
            %parallel_loop3A_1133 = vector.bitcast %parallel_loop3A_1132 : vector<16xi32> to vector<16xi32>
            %parallel_loop3A_1134 = vector.broadcast %while3A : i32 to vector<16xi32>
            %parallel_loop3A_1135 = arith.cmpi ult, %parallel_loop3A_1133, %parallel_loop3A_1134 : vector<16xi32>
            %parallel_loop3A_1136 = vector.broadcast %mul3A_1082 : i32 to vector<16xi32>
            %parallel_loop3A_1137 = arith.addi %parallel_loop3A_1136, %parallel_loop3A_1132 : vector<16xi32>
            tpu.vector_store_idx %arg9[%parallel_loop3A_1137], %broadcast_in_dim3A_3 masked %parallel_loop3A_1135 {add = true} : memref<67584xf32, #tpu.memory_space<vmem>>[vector<16xi32>], vector<16xf32>, vector<16xi1>
          } {sc.loop_unroll_factor = 4 : i64, sc.parallel_access}
          %mul3A_1111 = arith.constant 16 : i32
          %mul3A_1112 = arith.muli %select_n3A_1108, %mul3A_1111 : i32
          %sub3A_1113 = arith.subi %sub3A_1080, %mul3A_1112 : i32
          %gt3A_1114 = arith.constant 0 : i32
          %gt3A_1115 = arith.cmpi sgt, %sub3A_1113, %gt3A_1114 : i32
          %convert_element_type3A_1116 = arith.extui %gt3A_1115 : i1 to i32
          %cond3A_1117 = arith.constant 0 : i32
          %cond3A_1118 = arith.cmpi ne, %convert_element_type3A_1116, %cond3A_1117 : i32
          scf.if %cond3A_1118 {
            %mul3A_1127 = arith.constant 16 : i32
            %mul3A_1128 = arith.muli %select_n3A_1108, %mul3A_1127 : i32
            %add3A_1129 = arith.addi %add3A_1084, %mul3A_1128 : i32
            %get3A_1130 = arith.index_cast %add3A_1129 : i32 to index
            %get3A_1131 = tpu.vector_load %arg8[%get3A_1130] {strides = array<i32>} : memref<16408xi32, #tpu.memory_space<vmem>>, vector<16xi32>,
            %bitcast3A = vector.bitcast %get3A_1131 : vector<16xi32> to vector<16xi32>
            %lt3A_1132 = vector.broadcast %while3A : i32 to vector<16xi32>
            %lt3A_1133 = arith.cmpi ult, %bitcast3A, %lt3A_1132 : vector<16xi32>
            %lt3A_1134 = vector.broadcast %sub3A_1113 : i32 to vector<16xi32>
            %lt3A_1135 = arith.cmpi slt, %iota3A, %lt3A_1134 : vector<16xi32>
            %and3A_1136 = arith.andi %lt3A_1133, %lt3A_1135 : vector<16xi1>
            %add3A_1137 = vector.broadcast %mul3A_1082 : i32 to vector<16xi32>
            %add3A_1138 = arith.addi %add3A_1137, %get3A_1131 : vector<16xi32>
            tpu.vector_store_idx %arg9[%add3A_1138], %broadcast_in_dim3A_3 masked %and3A_1136 {add = true} : memref<67584xf32, #tpu.memory_space<vmem>>[vector<16xi32>], vector<16xf32>, vector<16xi1>
          } else {
          }
          %le3A_1119 = arith.cmpi sle, %squeeze3A_1078, %add3A_1062 : i32
          %convert_element_type3A_1120 = arith.extui %le3A_1119 : i1 to i32
          %cond3A_1121 = arith.constant 0 : i32
          %cond3A_1122 = arith.cmpi ne, %convert_element_type3A_1120, %cond3A_1121 : i32
          scf.if %cond3A_1122 {
            %mul3A_1127 = arith.constant 1024 : i32
            %mul3A_1128 = arith.muli %while3A_1071, %mul3A_1127 : i32
            %add3A_1129 = arith.addi %squeeze3A_866, %while3A_1071 : i32
            %dma_start3A = tpu.memref_slice %arg9[%mul3A_1128] : memref<67584xf32, #tpu.memory_space<vmem>> -> memref<1024xf32, #tpu.memory_space<vmem>>
            %dma_start3A_1130 = arith.constant 0 : i32
            %dma_start3A_1131 = tpu.memref_slice %arg4[%add3A_1129, %dma_start3A_1130] : memref<1024x1024xf32, #tpu.memory_space<hbm>> -> memref<1x1024xf32, #tpu.memory_space<hbm>>
            %dma_start3A_1132 = tpu.memref_squeeze %dma_start3A_1131 : memref<1x1024xf32, #tpu.memory_space<hbm>> -> memref<1024xf32, #tpu.memory_space<hbm>>
            %dma_start3A_1133 = arith.constant 0 : i32
            %dma_start3A_1134 = tpu.memref_slice %arg4[%add3A_1129, %dma_start3A_1133] : memref<1024x1024xf32, #tpu.memory_space<hbm>> -> memref<1x1024xf32, #tpu.memory_space<hbm>>
            %dma_start3A_1135 = tpu.memref_squeeze %dma_start3A_1134 : memref<1x1024xf32, #tpu.memory_space<hbm>> -> memref<1024xf32, #tpu.memory_space<hbm>>
            %dma_start3A_1136 = tpu.memref_slice %arg9[%mul3A_1128] : memref<67584xf32, #tpu.memory_space<vmem>> -> memref<1024xf32, #tpu.memory_space<vmem>>
            tpu.enqueue_dma source(%dma_start3A_1136 : memref<1024xf32, #tpu.memory_space<vmem>>) target(%dma_start3A_1135 : memref<1024xf32, #tpu.memory_space<hbm>>) target_semaphore(%arg12 : memref<!tpu.dma_semaphore, #tpu.memory_space<semaphore_mem>>)
          } else {
          }
          %le3A_1123 = arith.cmpi sle, %squeeze3A_1078, %add3A_1062 : i32
          %add3A_1124 = arith.constant 1 : i32
          %add3A_1125 = arith.addi %while3A_1071, %add3A_1124 : i32
          %select_n3A_1126 = arith.select %le3A_1123, %add3A_1125, %while3A_1071 : i32
          scf.yield %min3A_1079, %select_n3A_1126 : i32, i32
        }
        %add3A_1064 = arith.constant 3 : i32
        %add3A_1065 = arith.addi %mul3A_1001, %add3A_1064 : i32
        %lt3A_1066 = arith.cmpi slt, %add3A_1065, %select_n3A_930 : i32
        %convert_element_type3A_1067 = arith.extui %lt3A_1066 : i1 to i32
        %cond3A_1068 = arith.constant 0 : i32
        %cond3A_1069 = arith.cmpi ne, %convert_element_type3A_1067, %cond3A_1068 : i32
        scf.if %cond3A_1069 {
          %add3A_1070 = arith.constant 3 : i32
          %add3A_1071 = arith.addi %mul3A_1001, %add3A_1070 : i32
          %mul3A_1072 = arith.constant 16384 : i32
          %mul3A_1073 = arith.muli %add3A_1071, %mul3A_1072 : i32
          %add3A_1074 = arith.addi %mul3A_904, %mul3A_1073 : i32
          %min3A_1075 = arith.constant 8372216 : i32
          %min3A_1076 = arith.minsi %add3A_1074, %min3A_1075 : i32
          %dma_start3A = arith.constant 0 : i32
          %dma_start3A_1077 = tpu.memref_slice %arg8[%dma_start3A] : memref<16408xi32, #tpu.memory_space<vmem>> -> memref<16392xi32, #tpu.memory_space<vmem>>
          %dma_start3A_1078 = tpu.memref_slice %arg2[%min3A_1076] : memref<8388608xi32, #tpu.memory_space<hbm>> -> memref<16392xi32, #tpu.memory_space<hbm>>
          %dma_start3A_1079 = arith.constant 0 : i32
          %dma_start3A_1080 = tpu.memref_slice %arg8[%dma_start3A_1079] : memref<16408xi32, #tpu.memory_space<vmem>> -> memref<16392xi32, #tpu.memory_space<vmem>>
          %dma_start3A_1081 = tpu.memref_slice %arg2[%min3A_1076] : memref<8388608xi32, #tpu.memory_space<hbm>> -> memref<16392xi32, #tpu.memory_space<hbm>>
          tpu.enqueue_dma source(%dma_start3A_1081 : memref<16392xi32, #tpu.memory_space<hbm>>) target(%dma_start3A_1080 : memref<16392xi32, #tpu.memory_space<vmem>>) target_semaphore(%arg11 : memref<!tpu.dma_semaphore, #tpu.memory_space<semaphore_mem>>)
        } else {
        }
        scf.yield %while3A_1063#1 : i32
      } else {
        scf.yield %while3A_1024#1 : i32
      }
      scf.yield %cond3A_1037 : i32
    }
    %while3A_977 = arith.constant 1 : i32
    %while3A_978 = scf.for %while3A_998 = %while3A_974 to %while3A_970 step %while3A_977 iter_args(%while3A_999 = %while3A_976) -> (i32)  : i32 {
      %mul3A_1000 = arith.constant 2 : i32
      %mul3A_1001 = arith.muli %mul3A_1000, %while3A_998 : i32
      %dma_wait3A = arith.constant 0 : i32
      %dma_wait3A_1002 = tpu.memref_slice %arg7[%dma_wait3A] : memref<16408xi32, #tpu.memory_space<vmem>> -> memref<16392xi32, #tpu.memory_space<vmem>>
      %dma_wait3A_1003 = arith.constant 0 : i32
      %dma_wait3A_1004 = tpu.memref_slice %arg2[%dma_wait3A_1003] : memref<8388608xi32, #tpu.memory_space<hbm>> -> memref<16392xi32, #tpu.memory_space<hbm>>
      %dma_wait3A_1005 = arith.constant 0 : i32
      %dma_wait3A_1006 = tpu.memref_slice %arg7[%dma_wait3A_1005] : memref<16408xi32, #tpu.memory_space<vmem>> -> memref<16392xi32, #tpu.memory_space<vmem>>
      %dma_wait3A_1007 = arith.constant 0 : i32
      %dma_wait3A_1008 = tpu.memref_slice %arg2[%dma_wait3A_1007] : memref<8388608xi32, #tpu.memory_space<hbm>> -> memref<16392xi32, #tpu.memory_space<hbm>>
      tpu.wait_dma2 semaphore(%arg10 : memref<!tpu.dma_semaphore, #tpu.memory_space<semaphore_mem>>) src(%dma_wait3A_1008 : memref<16392xi32, #tpu.memory_space<hbm>>) dst(%dma_wait3A_1006 : memref<16392xi32, #tpu.memory_space<vmem>>)
      %mul3A_1009 = arith.constant 16384 : i32
      %mul3A_1010 = arith.muli %mul3A_1001, %mul3A_1009 : i32
      %add3A_1011 = arith.addi %squeeze3A_873, %mul3A_1010 : i32
      %mul3A_1012 = arith.constant 16384 : i32
      %mul3A_1013 = arith.muli %mul3A_1001, %mul3A_1012 : i32
      %add3A_1014 = arith.addi %mul3A_904, %mul3A_1013 : i32
      %min3A_1015 = arith.constant 8372216 : i32
      %min3A_1016 = arith.minsi %add3A_1014, %min3A_1015 : i32
      %sub3A_1017 = arith.subi %add3A_1011, %min3A_1016 : i32
      %mul3A_1018 = arith.constant 16384 : i32
      %mul3A_1019 = arith.muli %mul3A_1001, %mul3A_1018 : i32
      %sub3A_1020 = arith.subi %sub3A_878, %mul3A_1019 : i32
      %min3A_1021 = arith.constant 16384 : i32
      %min3A_1022 = arith.minsi %sub3A_1020, %min3A_1021 : i32
      %add3A_1023 = arith.addi %add3A_1011, %min3A_1022 : i32
      %while3A_1024:2 = scf.while (%while3A_1038 = %add3A_1011, %while3A_1039 = %while3A_999) : (i32, i32) -> (i32, i32) {
        %lt3A_1040 = arith.cmpi slt, %while3A_1038, %add3A_1023 : i32
        scf.condition(%lt3A_1040) %while3A_1038, %while3A_1039 : i32, i32
      } do {
      ^bb0(%while3A_1038: i32, %while3A_1039: i32):
        %add3A_1040 = arith.addi %squeeze3A_866, %while3A_1039 : i32
        %add3A_1041 = arith.constant 1 : i32
        %add3A_1042 = arith.addi %add3A_1040, %add3A_1041 : i32
        %get3A_1043 = arith.index_cast %add3A_1042 : i32 to index
        %get3A_1044 = tpu.vector_load %arg5[%get3A_1043] {strides = array<i32>} : memref<1040xi32, #tpu.memory_space<vmem>>, vector<16xi32>,
        %slice3A_1045 = vector.extract_strided_slice %get3A_1044 {offsets = [0], sizes = [1], strides = [1]} : vector<16xi32> to vector<1xi32>
        %squeeze3A_1046 = vector.extract %slice3A_1045[0] : i32 from vector<1xi32>
        %min3A_1047 = arith.minsi %squeeze3A_1046, %add3A_1023 : i32
        %sub3A_1048 = arith.subi %min3A_1047, %while3A_1038 : i32
        %mul3A_1049 = arith.constant 1024 : i32
        %mul3A_1050 = arith.muli %while3A_1039, %mul3A_1049 : i32
        %sub3A_1051 = arith.subi %while3A_1038, %add3A_1011 : i32
        %add3A_1052 = arith.addi %sub3A_1017, %sub3A_1051 : i32
        %jit3A_1053 = arith.constant 16 : i32
        %div3A_1054 = arith.divsi %sub3A_1048, %jit3A_1053 : i32
        %sign3A_1055 = arith.constant 0 : i32
        %sign3A_1056 = arith.cmpi sgt, %sub3A_1048, %sign3A_1055 : i32
        %sign3A_1057 = arith.extui %sign3A_1056 : i1 to i32
        %sign3A_1058 = arith.constant 0 : i32
        %sign3A_1059 = arith.cmpi slt, %sub3A_1048, %sign3A_1058 : i32
        %sign3A_1060 = arith.extui %sign3A_1059 : i1 to i32
        %sign3A_1061 = arith.subi %sign3A_1057, %sign3A_1060 : i32
        %sign3A_1062 = arith.constant 0 : i32
        %sign3A_1063 = arith.cmpi sgt, %jit3A_1053, %sign3A_1062 : i32
        %sign3A_1064 = arith.extui %sign3A_1063 : i1 to i32
        %sign3A_1065 = arith.constant 0 : i32
        %sign3A_1066 = arith.cmpi slt, %jit3A_1053, %sign3A_1065 : i32
        %sign3A_1067 = arith.extui %sign3A_1066 : i1 to i32
        %sign3A_1068 = arith.subi %sign3A_1064, %sign3A_1067 : i32
        %ne3A_1069 = arith.cmpi ne, %sign3A_1061, %sign3A_1068 : i32
        %rem3A_1070 = arith.remsi %sub3A_1048, %jit3A_1053 : i32
        %ne3A_1071 = arith.constant 0 : i32
        %ne3A_1072 = arith.cmpi ne, %rem3A_1070, %ne3A_1071 : i32
        %and3A_1073 = arith.andi %ne3A_1069, %ne3A_1072 : i1
        %sub3A_1074 = arith.constant 1 : i32
        %sub3A_1075 = arith.subi %div3A_1054, %sub3A_1074 : i32
        %select_n3A_1076 = arith.select %and3A_1073, %sub3A_1075, %div3A_1054 : i32
        %parallel_loop3A_1077 = arith.constant 0 : i32
        %parallel_loop3A_1078 = arith.constant 1 : i32
        scf.for %parallel_loop3A_1095 = %parallel_loop3A_1077 to %select_n3A_1076 step %parallel_loop3A_1078  : i32 {
          %parallel_loop3A_1096 = arith.constant 16 : i32
          %parallel_loop3A_1097 = arith.muli %parallel_loop3A_1095, %parallel_loop3A_1096 : i32
          %parallel_loop3A_1098 = arith.addi %add3A_1052, %parallel_loop3A_1097 : i32
          %parallel_loop3A_1099 = arith.index_cast %parallel_loop3A_1098 : i32 to index
          %parallel_loop3A_1100 = tpu.vector_load %arg7[%parallel_loop3A_1099] {strides = array<i32>} : memref<16408xi32, #tpu.memory_space<vmem>>, vector<16xi32>,
          %parallel_loop3A_1101 = vector.bitcast %parallel_loop3A_1100 : vector<16xi32> to vector<16xi32>
          %parallel_loop3A_1102 = vector.broadcast %while3A : i32 to vector<16xi32>
          %parallel_loop3A_1103 = arith.cmpi ult, %parallel_loop3A_1101, %parallel_loop3A_1102 : vector<16xi32>
          %parallel_loop3A_1104 = vector.broadcast %mul3A_1050 : i32 to vector<16xi32>
          %parallel_loop3A_1105 = arith.addi %parallel_loop3A_1104, %parallel_loop3A_1100 : vector<16xi32>
          tpu.vector_store_idx %arg9[%parallel_loop3A_1105], %broadcast_in_dim3A_3 masked %parallel_loop3A_1103 {add = true} : memref<67584xf32, #tpu.memory_space<vmem>>[vector<16xi32>], vector<16xf32>, vector<16xi1>
        } {sc.loop_unroll_factor = 4 : i64, sc.parallel_access}
        %mul3A_1079 = arith.constant 16 : i32
        %mul3A_1080 = arith.muli %select_n3A_1076, %mul3A_1079 : i32
        %sub3A_1081 = arith.subi %sub3A_1048, %mul3A_1080 : i32
        %gt3A_1082 = arith.constant 0 : i32
        %gt3A_1083 = arith.cmpi sgt, %sub3A_1081, %gt3A_1082 : i32
        %convert_element_type3A_1084 = arith.extui %gt3A_1083 : i1 to i32
        %cond3A_1085 = arith.constant 0 : i32
        %cond3A_1086 = arith.cmpi ne, %convert_element_type3A_1084, %cond3A_1085 : i32
        scf.if %cond3A_1086 {
          %mul3A_1095 = arith.constant 16 : i32
          %mul3A_1096 = arith.muli %select_n3A_1076, %mul3A_1095 : i32
          %add3A_1097 = arith.addi %add3A_1052, %mul3A_1096 : i32
          %get3A_1098 = arith.index_cast %add3A_1097 : i32 to index
          %get3A_1099 = tpu.vector_load %arg7[%get3A_1098] {strides = array<i32>} : memref<16408xi32, #tpu.memory_space<vmem>>, vector<16xi32>,
          %bitcast3A = vector.bitcast %get3A_1099 : vector<16xi32> to vector<16xi32>
          %lt3A_1100 = vector.broadcast %while3A : i32 to vector<16xi32>
          %lt3A_1101 = arith.cmpi ult, %bitcast3A, %lt3A_1100 : vector<16xi32>
          %lt3A_1102 = vector.broadcast %sub3A_1081 : i32 to vector<16xi32>
          %lt3A_1103 = arith.cmpi slt, %iota3A, %lt3A_1102 : vector<16xi32>
          %and3A_1104 = arith.andi %lt3A_1101, %lt3A_1103 : vector<16xi1>
          %add3A_1105 = vector.broadcast %mul3A_1050 : i32 to vector<16xi32>
          %add3A_1106 = arith.addi %add3A_1105, %get3A_1099 : vector<16xi32>
          tpu.vector_store_idx %arg9[%add3A_1106], %broadcast_in_dim3A_3 masked %and3A_1104 {add = true} : memref<67584xf32, #tpu.memory_space<vmem>>[vector<16xi32>], vector<16xf32>, vector<16xi1>
        } else {
        }
        %le3A_1087 = arith.cmpi sle, %squeeze3A_1046, %add3A_1023 : i32
        %convert_element_type3A_1088 = arith.extui %le3A_1087 : i1 to i32
        %cond3A_1089 = arith.constant 0 : i32
        %cond3A_1090 = arith.cmpi ne, %convert_element_type3A_1088, %cond3A_1089 : i32
        scf.if %cond3A_1090 {
          %mul3A_1095 = arith.constant 1024 : i32
          %mul3A_1096 = arith.muli %while3A_1039, %mul3A_1095 : i32
          %add3A_1097 = arith.addi %squeeze3A_866, %while3A_1039 : i32
          %dma_start3A = tpu.memref_slice %arg9[%mul3A_1096] : memref<67584xf32, #tpu.memory_space<vmem>> -> memref<1024xf32, #tpu.memory_space<vmem>>
          %dma_start3A_1098 = arith.constant 0 : i32
          %dma_start3A_1099 = tpu.memref_slice %arg4[%add3A_1097, %dma_start3A_1098] : memref<1024x1024xf32, #tpu.memory_space<hbm>> -> memref<1x1024xf32, #tpu.memory_space<hbm>>
          %dma_start3A_1100 = tpu.memref_squeeze %dma_start3A_1099 : memref<1x1024xf32, #tpu.memory_space<hbm>> -> memref<1024xf32, #tpu.memory_space<hbm>>
          %dma_start3A_1101 = arith.constant 0 : i32
          %dma_start3A_1102 = tpu.memref_slice %arg4[%add3A_1097, %dma_start3A_1101] : memref<1024x1024xf32, #tpu.memory_space<hbm>> -> memref<1x1024xf32, #tpu.memory_space<hbm>>
          %dma_start3A_1103 = tpu.memref_squeeze %dma_start3A_1102 : memref<1x1024xf32, #tpu.memory_space<hbm>> -> memref<1024xf32, #tpu.memory_space<hbm>>
          %dma_start3A_1104 = tpu.memref_slice %arg9[%mul3A_1096] : memref<67584xf32, #tpu.memory_space<vmem>> -> memref<1024xf32, #tpu.memory_space<vmem>>
          tpu.enqueue_dma source(%dma_start3A_1104 : memref<1024xf32, #tpu.memory_space<vmem>>) target(%dma_start3A_1103 : memref<1024xf32, #tpu.memory_space<hbm>>) target_semaphore(%arg12 : memref<!tpu.dma_semaphore, #tpu.memory_space<semaphore_mem>>)
        } else {
        }
        %le3A_1091 = arith.cmpi sle, %squeeze3A_1046, %add3A_1023 : i32
        %add3A_1092 = arith.constant 1 : i32
        %add3A_1093 = arith.addi %while3A_1039, %add3A_1092 : i32
        %select_n3A_1094 = arith.select %le3A_1091, %add3A_1093, %while3A_1039 : i32
        scf.yield %min3A_1047, %select_n3A_1094 : i32, i32
      }
      %add3A_1025 = arith.constant 2 : i32
      %add3A_1026 = arith.addi %mul3A_1001, %add3A_1025 : i32
      %lt3A_1027 = arith.cmpi slt, %add3A_1026, %select_n3A_930 : i32
      %convert_element_type3A_1028 = arith.extui %lt3A_1027 : i1 to i32
      %cond3A_1029 = arith.constant 0 : i32
      %cond3A_1030 = arith.cmpi ne, %convert_element_type3A_1028, %cond3A_1029 : i32
      scf.if %cond3A_1030 {
        %add3A_1038 = arith.constant 2 : i32
        %add3A_1039 = arith.addi %mul3A_1001, %add3A_1038 : i32
        %mul3A_1040 = arith.constant 16384 : i32
        %mul3A_1041 = arith.muli %add3A_1039, %mul3A_1040 : i32
        %add3A_1042 = arith.addi %mul3A_904, %mul3A_1041 : i32
        %min3A_1043 = arith.constant 8372216 : i32
        %min3A_1044 = arith.minsi %add3A_1042, %min3A_1043 : i32
        %dma_start3A = arith.constant 0 : i32
        %dma_start3A_1045 = tpu.memref_slice %arg7[%dma_start3A] : memref<16408xi32, #tpu.memory_space<vmem>> -> memref<16392xi32, #tpu.memory_space<vmem>>
        %dma_start3A_1046 = tpu.memref_slice %arg2[%min3A_1044] : memref<8388608xi32, #tpu.memory_space<hbm>> -> memref<16392xi32, #tpu.memory_space<hbm>>
        %dma_start3A_1047 = arith.constant 0 : i32
        %dma_start3A_1048 = tpu.memref_slice %arg7[%dma_start3A_1047] : memref<16408xi32, #tpu.memory_space<vmem>> -> memref<16392xi32, #tpu.memory_space<vmem>>
        %dma_start3A_1049 = tpu.memref_slice %arg2[%min3A_1044] : memref<8388608xi32, #tpu.memory_space<hbm>> -> memref<16392xi32, #tpu.memory_space<hbm>>
        tpu.enqueue_dma source(%dma_start3A_1049 : memref<16392xi32, #tpu.memory_space<hbm>>) target(%dma_start3A_1048 : memref<16392xi32, #tpu.memory_space<vmem>>) target_semaphore(%arg10 : memref<!tpu.dma_semaphore, #tpu.memory_space<semaphore_mem>>)
      } else {
      }
      %add3A_1031 = arith.constant 1 : i32
      %add3A_1032 = arith.addi %mul3A_1001, %add3A_1031 : i32
      %lt3A_1033 = arith.cmpi slt, %add3A_1032, %select_n3A_930 : i32
      %convert_element_type3A_1034 = arith.extui %lt3A_1033 : i1 to i32
      %cond3A_1035 = arith.constant 0 : i32
      %cond3A_1036 = arith.cmpi ne, %convert_element_type3A_1034, %cond3A_1035 : i32
      %cond3A_1037 = scf.if %cond3A_1036 -> (i32) {
        %dma_wait3A_1038 = arith.constant 0 : i32
        %dma_wait3A_1039 = tpu.memref_slice %arg8[%dma_wait3A_1038] : memref<16408xi32, #tpu.memory_space<vmem>> -> memref<16392xi32, #tpu.memory_space<vmem>>
        %dma_wait3A_1040 = arith.constant 0 : i32
        %dma_wait3A_1041 = tpu.memref_slice %arg2[%dma_wait3A_1040] : memref<8388608xi32, #tpu.memory_space<hbm>> -> memref<16392xi32, #tpu.memory_space<hbm>>
        %dma_wait3A_1042 = arith.constant 0 : i32
        %dma_wait3A_1043 = tpu.memref_slice %arg8[%dma_wait3A_1042] : memref<16408xi32, #tpu.memory_space<vmem>> -> memref<16392xi32, #tpu.memory_space<vmem>>
        %dma_wait3A_1044 = arith.constant 0 : i32
        %dma_wait3A_1045 = tpu.memref_slice %arg2[%dma_wait3A_1044] : memref<8388608xi32, #tpu.memory_space<hbm>> -> memref<16392xi32, #tpu.memory_space<hbm>>
        tpu.wait_dma2 semaphore(%arg11 : memref<!tpu.dma_semaphore, #tpu.memory_space<semaphore_mem>>) src(%dma_wait3A_1045 : memref<16392xi32, #tpu.memory_space<hbm>>) dst(%dma_wait3A_1043 : memref<16392xi32, #tpu.memory_space<vmem>>)
        %add3A_1046 = arith.constant 1 : i32
        %add3A_1047 = arith.addi %mul3A_1001, %add3A_1046 : i32
        %mul3A_1048 = arith.constant 16384 : i32
        %mul3A_1049 = arith.muli %add3A_1047, %mul3A_1048 : i32
        %add3A_1050 = arith.addi %squeeze3A_873, %mul3A_1049 : i32
        %mul3A_1051 = arith.constant 16384 : i32
        %mul3A_1052 = arith.muli %add3A_1047, %mul3A_1051 : i32
        %add3A_1053 = arith.addi %mul3A_904, %mul3A_1052 : i32
        %min3A_1054 = arith.constant 8372216 : i32
        %min3A_1055 = arith.minsi %add3A_1053, %min3A_1054 : i32
        %sub3A_1056 = arith.subi %add3A_1050, %min3A_1055 : i32
        %mul3A_1057 = arith.constant 16384 : i32
        %mul3A_1058 = arith.muli %add3A_1047, %mul3A_1057 : i32
        %sub3A_1059 = arith.subi %sub3A_878, %mul3A_1058 : i32
        %min3A_1060 = arith.constant 16384 : i32
        %min3A_1061 = arith.minsi %sub3A_1059, %min3A_1060 : i32
        %add3A_1062 = arith.addi %add3A_1050, %min3A_1061 : i32
        %while3A_1063:2 = scf.while (%while3A_1070 = %add3A_1050, %while3A_1071 = %while3A_1024#1) : (i32, i32) -> (i32, i32) {
          %lt3A_1072 = arith.cmpi slt, %while3A_1070, %add3A_1062 : i32
          scf.condition(%lt3A_1072) %while3A_1070, %while3A_1071 : i32, i32
        } do {
        ^bb0(%while3A_1070: i32, %while3A_1071: i32):
          %add3A_1072 = arith.addi %squeeze3A_866, %while3A_1071 : i32
          %add3A_1073 = arith.constant 1 : i32
          %add3A_1074 = arith.addi %add3A_1072, %add3A_1073 : i32
          %get3A_1075 = arith.index_cast %add3A_1074 : i32 to index
          %get3A_1076 = tpu.vector_load %arg5[%get3A_1075] {strides = array<i32>} : memref<1040xi32, #tpu.memory_space<vmem>>, vector<16xi32>,
          %slice3A_1077 = vector.extract_strided_slice %get3A_1076 {offsets = [0], sizes = [1], strides = [1]} : vector<16xi32> to vector<1xi32>
          %squeeze3A_1078 = vector.extract %slice3A_1077[0] : i32 from vector<1xi32>
          %min3A_1079 = arith.minsi %squeeze3A_1078, %add3A_1062 : i32
          %sub3A_1080 = arith.subi %min3A_1079, %while3A_1070 : i32
          %mul3A_1081 = arith.constant 1024 : i32
          %mul3A_1082 = arith.muli %while3A_1071, %mul3A_1081 : i32
          %sub3A_1083 = arith.subi %while3A_1070, %add3A_1050 : i32
          %add3A_1084 = arith.addi %sub3A_1056, %sub3A_1083 : i32
          %jit3A_1085 = arith.constant 16 : i32
          %div3A_1086 = arith.divsi %sub3A_1080, %jit3A_1085 : i32
          %sign3A_1087 = arith.constant 0 : i32
          %sign3A_1088 = arith.cmpi sgt, %sub3A_1080, %sign3A_1087 : i32
          %sign3A_1089 = arith.extui %sign3A_1088 : i1 to i32
          %sign3A_1090 = arith.constant 0 : i32
          %sign3A_1091 = arith.cmpi slt, %sub3A_1080, %sign3A_1090 : i32
          %sign3A_1092 = arith.extui %sign3A_1091 : i1 to i32
          %sign3A_1093 = arith.subi %sign3A_1089, %sign3A_1092 : i32
          %sign3A_1094 = arith.constant 0 : i32
          %sign3A_1095 = arith.cmpi sgt, %jit3A_1085, %sign3A_1094 : i32
          %sign3A_1096 = arith.extui %sign3A_1095 : i1 to i32
          %sign3A_1097 = arith.constant 0 : i32
          %sign3A_1098 = arith.cmpi slt, %jit3A_1085, %sign3A_1097 : i32
          %sign3A_1099 = arith.extui %sign3A_1098 : i1 to i32
          %sign3A_1100 = arith.subi %sign3A_1096, %sign3A_1099 : i32
          %ne3A_1101 = arith.cmpi ne, %sign3A_1093, %sign3A_1100 : i32
          %rem3A_1102 = arith.remsi %sub3A_1080, %jit3A_1085 : i32
          %ne3A_1103 = arith.constant 0 : i32
          %ne3A_1104 = arith.cmpi ne, %rem3A_1102, %ne3A_1103 : i32
          %and3A_1105 = arith.andi %ne3A_1101, %ne3A_1104 : i1
          %sub3A_1106 = arith.constant 1 : i32
          %sub3A_1107 = arith.subi %div3A_1086, %sub3A_1106 : i32
          %select_n3A_1108 = arith.select %and3A_1105, %sub3A_1107, %div3A_1086 : i32
          %parallel_loop3A_1109 = arith.constant 0 : i32
          %parallel_loop3A_1110 = arith.constant 1 : i32
          scf.for %parallel_loop3A_1127 = %parallel_loop3A_1109 to %select_n3A_1108 step %parallel_loop3A_1110  : i32 {
            %parallel_loop3A_1128 = arith.constant 16 : i32
            %parallel_loop3A_1129 = arith.muli %parallel_loop3A_1127, %parallel_loop3A_1128 : i32
            %parallel_loop3A_1130 = arith.addi %add3A_1084, %parallel_loop3A_1129 : i32
            %parallel_loop3A_1131 = arith.index_cast %parallel_loop3A_1130 : i32 to index
            %parallel_loop3A_1132 = tpu.vector_load %arg8[%parallel_loop3A_1131] {strides = array<i32>} : memref<16408xi32, #tpu.memory_space<vmem>>, vector<16xi32>,
            %parallel_loop3A_1133 = vector.bitcast %parallel_loop3A_1132 : vector<16xi32> to vector<16xi32>
            %parallel_loop3A_1134 = vector.broadcast %while3A : i32 to vector<16xi32>
            %parallel_loop3A_1135 = arith.cmpi ult, %parallel_loop3A_1133, %parallel_loop3A_1134 : vector<16xi32>
            %parallel_loop3A_1136 = vector.broadcast %mul3A_1082 : i32 to vector<16xi32>
            %parallel_loop3A_1137 = arith.addi %parallel_loop3A_1136, %parallel_loop3A_1132 : vector<16xi32>
            tpu.vector_store_idx %arg9[%parallel_loop3A_1137], %broadcast_in_dim3A_3 masked %parallel_loop3A_1135 {add = true} : memref<67584xf32, #tpu.memory_space<vmem>>[vector<16xi32>], vector<16xf32>, vector<16xi1>
          } {sc.loop_unroll_factor = 4 : i64, sc.parallel_access}
          %mul3A_1111 = arith.constant 16 : i32
          %mul3A_1112 = arith.muli %select_n3A_1108, %mul3A_1111 : i32
          %sub3A_1113 = arith.subi %sub3A_1080, %mul3A_1112 : i32
          %gt3A_1114 = arith.constant 0 : i32
          %gt3A_1115 = arith.cmpi sgt, %sub3A_1113, %gt3A_1114 : i32
          %convert_element_type3A_1116 = arith.extui %gt3A_1115 : i1 to i32
          %cond3A_1117 = arith.constant 0 : i32
          %cond3A_1118 = arith.cmpi ne, %convert_element_type3A_1116, %cond3A_1117 : i32
          scf.if %cond3A_1118 {
            %mul3A_1127 = arith.constant 16 : i32
            %mul3A_1128 = arith.muli %select_n3A_1108, %mul3A_1127 : i32
            %add3A_1129 = arith.addi %add3A_1084, %mul3A_1128 : i32
            %get3A_1130 = arith.index_cast %add3A_1129 : i32 to index
            %get3A_1131 = tpu.vector_load %arg8[%get3A_1130] {strides = array<i32>} : memref<16408xi32, #tpu.memory_space<vmem>>, vector<16xi32>,
            %bitcast3A = vector.bitcast %get3A_1131 : vector<16xi32> to vector<16xi32>
            %lt3A_1132 = vector.broadcast %while3A : i32 to vector<16xi32>
            %lt3A_1133 = arith.cmpi ult, %bitcast3A, %lt3A_1132 : vector<16xi32>
            %lt3A_1134 = vector.broadcast %sub3A_1113 : i32 to vector<16xi32>
            %lt3A_1135 = arith.cmpi slt, %iota3A, %lt3A_1134 : vector<16xi32>
            %and3A_1136 = arith.andi %lt3A_1133, %lt3A_1135 : vector<16xi1>
            %add3A_1137 = vector.broadcast %mul3A_1082 : i32 to vector<16xi32>
            %add3A_1138 = arith.addi %add3A_1137, %get3A_1131 : vector<16xi32>
            tpu.vector_store_idx %arg9[%add3A_1138], %broadcast_in_dim3A_3 masked %and3A_1136 {add = true} : memref<67584xf32, #tpu.memory_space<vmem>>[vector<16xi32>], vector<16xf32>, vector<16xi1>
          } else {
          }
          %le3A_1119 = arith.cmpi sle, %squeeze3A_1078, %add3A_1062 : i32
          %convert_element_type3A_1120 = arith.extui %le3A_1119 : i1 to i32
          %cond3A_1121 = arith.constant 0 : i32
          %cond3A_1122 = arith.cmpi ne, %convert_element_type3A_1120, %cond3A_1121 : i32
          scf.if %cond3A_1122 {
            %mul3A_1127 = arith.constant 1024 : i32
            %mul3A_1128 = arith.muli %while3A_1071, %mul3A_1127 : i32
            %add3A_1129 = arith.addi %squeeze3A_866, %while3A_1071 : i32
            %dma_start3A = tpu.memref_slice %arg9[%mul3A_1128] : memref<67584xf32, #tpu.memory_space<vmem>> -> memref<1024xf32, #tpu.memory_space<vmem>>
            %dma_start3A_1130 = arith.constant 0 : i32
            %dma_start3A_1131 = tpu.memref_slice %arg4[%add3A_1129, %dma_start3A_1130] : memref<1024x1024xf32, #tpu.memory_space<hbm>> -> memref<1x1024xf32, #tpu.memory_space<hbm>>
            %dma_start3A_1132 = tpu.memref_squeeze %dma_start3A_1131 : memref<1x1024xf32, #tpu.memory_space<hbm>> -> memref<1024xf32, #tpu.memory_space<hbm>>
            %dma_start3A_1133 = arith.constant 0 : i32
            %dma_start3A_1134 = tpu.memref_slice %arg4[%add3A_1129, %dma_start3A_1133] : memref<1024x1024xf32, #tpu.memory_space<hbm>> -> memref<1x1024xf32, #tpu.memory_space<hbm>>
            %dma_start3A_1135 = tpu.memref_squeeze %dma_start3A_1134 : memref<1x1024xf32, #tpu.memory_space<hbm>> -> memref<1024xf32, #tpu.memory_space<hbm>>
            %dma_start3A_1136 = tpu.memref_slice %arg9[%mul3A_1128] : memref<67584xf32, #tpu.memory_space<vmem>> -> memref<1024xf32, #tpu.memory_space<vmem>>
            tpu.enqueue_dma source(%dma_start3A_1136 : memref<1024xf32, #tpu.memory_space<vmem>>) target(%dma_start3A_1135 : memref<1024xf32, #tpu.memory_space<hbm>>) target_semaphore(%arg12 : memref<!tpu.dma_semaphore, #tpu.memory_space<semaphore_mem>>)
          } else {
          }
          %le3A_1123 = arith.cmpi sle, %squeeze3A_1078, %add3A_1062 : i32
          %add3A_1124 = arith.constant 1 : i32
          %add3A_1125 = arith.addi %while3A_1071, %add3A_1124 : i32
          %select_n3A_1126 = arith.select %le3A_1123, %add3A_1125, %while3A_1071 : i32
          scf.yield %min3A_1079, %select_n3A_1126 : i32, i32
        }
        %add3A_1064 = arith.constant 3 : i32
        %add3A_1065 = arith.addi %mul3A_1001, %add3A_1064 : i32
        %lt3A_1066 = arith.cmpi slt, %add3A_1065, %select_n3A_930 : i32
        %convert_element_type3A_1067 = arith.extui %lt3A_1066 : i1 to i32
        %cond3A_1068 = arith.constant 0 : i32
        %cond3A_1069 = arith.cmpi ne, %convert_element_type3A_1067, %cond3A_1068 : i32
        scf.if %cond3A_1069 {
          %add3A_1070 = arith.constant 3 : i32
          %add3A_1071 = arith.addi %mul3A_1001, %add3A_1070 : i32
          %mul3A_1072 = arith.constant 16384 : i32
          %mul3A_1073 = arith.muli %add3A_1071, %mul3A_1072 : i32
          %add3A_1074 = arith.addi %mul3A_904, %mul3A_1073 : i32
          %min3A_1075 = arith.constant 8372216 : i32
          %min3A_1076 = arith.minsi %add3A_1074, %min3A_1075 : i32
          %dma_start3A = arith.constant 0 : i32
          %dma_start3A_1077 = tpu.memref_slice %arg8[%dma_start3A] : memref<16408xi32, #tpu.memory_space<vmem>> -> memref<16392xi32, #tpu.memory_space<vmem>>
          %dma_start3A_1078 = tpu.memref_slice %arg2[%min3A_1076] : memref<8388608xi32, #tpu.memory_space<hbm>> -> memref<16392xi32, #tpu.memory_space<hbm>>
          %dma_start3A_1079 = arith.constant 0 : i32
          %dma_start3A_1080 = tpu.memref_slice %arg8[%dma_start3A_1079] : memref<16408xi32, #tpu.memory_space<vmem>> -> memref<16392xi32, #tpu.memory_space<vmem>>
          %dma_start3A_1081 = tpu.memref_slice %arg2[%min3A_1076] : memref<8388608xi32, #tpu.memory_space<hbm>> -> memref<16392xi32, #tpu.memory_space<hbm>>
          tpu.enqueue_dma source(%dma_start3A_1081 : memref<16392xi32, #tpu.memory_space<hbm>>) target(%dma_start3A_1080 : memref<16392xi32, #tpu.memory_space<vmem>>) target_semaphore(%arg11 : memref<!tpu.dma_semaphore, #tpu.memory_space<semaphore_mem>>)
        } else {
        }
        scf.yield %while3A_1063#1 : i32
      } else {
        scf.yield %while3A_1024#1 : i32
      }
      scf.yield %cond3A_1037 : i32
    }
    %sub3A_979 = arith.constant 0 : i32
    %sub3A_980 = arith.subi %sub3A_869, %sub3A_979 : i32
    %sub3A_981 = arith.constant 1 : i32
    %sub3A_982 = arith.constant 1 : i32
    %sub3A_983 = arith.subi %sub3A_981, %sub3A_982 : i32
    %add3A_984 = arith.addi %sub3A_980, %sub3A_983 : i32
    %div3A_985 = arith.constant 1 : i32
    %div3A_986 = arith.divsi %add3A_984, %div3A_985 : i32
    %while3A_987 = arith.constant 1 : i32
    %while3A_988 = arith.constant 0 : i32
    %while3A_989 = arith.constant 0 : i32
    %while3A_990 = arith.subi %div3A_986, %while3A_989 : i32
    %while3A_991 = arith.addi %while3A_989, %while3A_990 : i32
    %while3A_992 = arith.constant 1 : i32
    %while3A_993 = arith.divsi %while3A_990, %while3A_992 : i32
    %while3A_994 = arith.muli %while3A_993, %while3A_992 : i32
    %while3A_995 = arith.addi %while3A_989, %while3A_994 : i32
    %while3A_996 = arith.constant 1 : i32
    scf.for %while3A_998 = %while3A_989 to %while3A_995 step %while3A_996  : i32 {
      %mul3A_999 = arith.muli %while3A_998, %while3A_987 : i32
      %add3A_1000 = arith.addi %while3A_988, %mul3A_999 : i32
      %dma_wait3A = arith.constant 0 : i32
      %dma_wait3A_1001 = arith.constant 0 : i32
      %dma_wait3A_1002 = tpu.memref_slice %arg9[%dma_wait3A_1001] : memref<67584xf32, #tpu.memory_space<vmem>> -> memref<1024xf32, #tpu.memory_space<vmem>>
      %dma_wait3A_1003 = arith.constant 0 : i32
      %dma_wait3A_1004 = tpu.memref_slice %arg4[%dma_wait3A, %dma_wait3A_1003] : memref<1024x1024xf32, #tpu.memory_space<hbm>> -> memref<1x1024xf32, #tpu.memory_space<hbm>>
      %dma_wait3A_1005 = tpu.memref_squeeze %dma_wait3A_1004 : memref<1x1024xf32, #tpu.memory_space<hbm>> -> memref<1024xf32, #tpu.memory_space<hbm>>
      %dma_wait3A_1006 = arith.constant 0 : i32
      %dma_wait3A_1007 = tpu.memref_slice %arg4[%dma_wait3A, %dma_wait3A_1006] : memref<1024x1024xf32, #tpu.memory_space<hbm>> -> memref<1x1024xf32, #tpu.memory_space<hbm>>
      %dma_wait3A_1008 = tpu.memref_squeeze %dma_wait3A_1007 : memref<1x1024xf32, #tpu.memory_space<hbm>> -> memref<1024xf32, #tpu.memory_space<hbm>>
      %dma_wait3A_1009 = arith.constant 0 : i32
      %dma_wait3A_1010 = tpu.memref_slice %arg9[%dma_wait3A_1009] : memref<67584xf32, #tpu.memory_space<vmem>> -> memref<1024xf32, #tpu.memory_space<vmem>>
      tpu.wait_dma2 semaphore(%arg12 : memref<!tpu.dma_semaphore, #tpu.memory_space<semaphore_mem>>) src(%dma_wait3A_1010 : memref<1024xf32, #tpu.memory_space<vmem>>) dst(%dma_wait3A_1008 : memref<1024xf32, #tpu.memory_space<hbm>>)
    }
    %while3A_997 = arith.constant 1 : i32
    scf.for %while3A_998 = %while3A_995 to %while3A_991 step %while3A_997  : i32 {
      %mul3A_999 = arith.muli %while3A_998, %while3A_987 : i32
      %add3A_1000 = arith.addi %while3A_988, %mul3A_999 : i32
      %dma_wait3A = arith.constant 0 : i32
      %dma_wait3A_1001 = arith.constant 0 : i32
      %dma_wait3A_1002 = tpu.memref_slice %arg9[%dma_wait3A_1001] : memref<67584xf32, #tpu.memory_space<vmem>> -> memref<1024xf32, #tpu.memory_space<vmem>>
      %dma_wait3A_1003 = arith.constant 0 : i32
      %dma_wait3A_1004 = tpu.memref_slice %arg4[%dma_wait3A, %dma_wait3A_1003] : memref<1024x1024xf32, #tpu.memory_space<hbm>> -> memref<1x1024xf32, #tpu.memory_space<hbm>>
      %dma_wait3A_1005 = tpu.memref_squeeze %dma_wait3A_1004 : memref<1x1024xf32, #tpu.memory_space<hbm>> -> memref<1024xf32, #tpu.memory_space<hbm>>
      %dma_wait3A_1006 = arith.constant 0 : i32
      %dma_wait3A_1007 = tpu.memref_slice %arg4[%dma_wait3A, %dma_wait3A_1006] : memref<1024x1024xf32, #tpu.memory_space<hbm>> -> memref<1x1024xf32, #tpu.memory_space<hbm>>
      %dma_wait3A_1008 = tpu.memref_squeeze %dma_wait3A_1007 : memref<1x1024xf32, #tpu.memory_space<hbm>> -> memref<1024xf32, #tpu.memory_space<hbm>>
      %dma_wait3A_1009 = arith.constant 0 : i32
      %dma_wait3A_1010 = tpu.memref_slice %arg9[%dma_wait3A_1009] : memref<67584xf32, #tpu.memory_space<vmem>> -> memref<1024xf32, #tpu.memory_space<vmem>>
      tpu.wait_dma2 semaphore(%arg12 : memref<!tpu.dma_semaphore, #tpu.memory_space<semaphore_mem>>) src(%dma_wait3A_1010 : memref<1024xf32, #tpu.memory_space<vmem>>) dst(%dma_wait3A_1008 : memref<1024xf32, #tpu.memory_space<hbm>>)
    }
    return
  }
}

</mosaic_0001>

<sc_bundles>
// kernel: kernel.3.cloned.1.call-start
scs
__scs_entry_jumppad:
0x0: {  	(pc) =	sbr.rel $0x88, $3  }
0x1: {  	(tag) =	ssettag $0x0;
	lr =	simm.s32 $0x1  }
0x2: {  	[smem:$0x3F9F] =	sst lr;
	_ =	strace $0xD0000000  }
0x3: {  	_ = 	snop  }
0x4: {  	_ = 	snop  }
0x5: {  	_ = 	snop  }
0x6: {  	_ = 	snop  }
0x7: {  	_ = 	snop  }
__scs_overlays_trampoline_lowered:
0x8: {  	[smem:$0x3FAE] =	sst s0  }
0x9: {  	[smem:$0x3FAF] =	sst s1  }
0xa: {  	[smem:$0x3FB0] =	sst s2  }
0xb: {  	[smem:$0x3FB1] =	sst s3  }
0xc: {  	[smem:$0x3FB2] =	sst s4  }
0xd: {  	[smem:$0x3FB3] =	sst s5  }
0xe: {  	[smem:$0x3FB4] =	sst s6  }
0xf: {  	[smem:$0x3FB5] =	sst s7  }
0x10: {  	[smem:$0x3FB6] =	sst s8  }
0x11: {  	[smem:$0x3FB7] =	sst s9;
	s0 =	simm.s32 @!p0 $0x0  }
0x12: {  	s1 =	sld [smem:$0x3F9D];
	s0 =	simm.s32 @p0 $0x1  }
0x13: {  	[smem:$0x3FB8] =	sst s0;
	s0 =	simm.s32 @!p1 $0x0  }
0x14: {  	s2 =	sld [smem:$0x3F9C];
	s0 =	simm.s32 @p1 $0x1  }
0x15: {  	[smem:$0x3FB9] =	sst s0;
	s0 =	simm.s32 @!p2 $0x0  }
0x16: {  	s3 =	sld [smem:$0x3FDB];
	s0 =	simm.s32 @p2 $0x1  }
0x17: {  	s4 =	simm.s32 $0x1BF5;
	[smem:$0x3FBB] =	sst s0  }
0x18: {  	s0 =	sld [smem:$0x3F9E];
	_ =	swait.ge [sflag:s4], $0x0  }
0x19: {  	s7 =	sld [smem:$0x3F9F]  }
0x1a: {  	s8 =	sadd.s32 $0xFFFFE003, lr  }
0x1b: {  	s9 =	sadd.s32 $0xFFFFFEF7, lr;
	s5 =	simm.s32 $0xFFFFFFFF;
	p2 =	slt.u32 s8, $0xFFFFF086  }
0x1c: {  	p1 =	slt.u32 s9, $0xF7A;
	s5 =	simm.s32 @!p2 $0x0  }
0x1d: {  	s5 =	simm.s32 @p1 $0x1;
	p0 =	seq.s32 s7, s2  }
0x1e: {  	s7 =	smul.u32 @!p0 $0xF7A, s2;
	p2 =	seq.s32 @!p0 s5, $0x0  }
0x1f: {  	s9 =	smul.u32 $0xF7A, s1;
	s8 =	simm.s32 @!p0 $0x1BF5;
	p2 =	por !p2, p0  }
0x20: {  	[sflag:s8] =	ssyncset.s32 @!p0 $0xFFFFF086;
	s6 =	sadd.s32 @!p0 s3, s7;
	s7 =	simm.s32 @!p0 $0x108  }
0x21: {  	s3 =	sadd.s32 s3, s9;
	s6 =	sadd.s32 @!p0 $0x88, s6;
	s7 =	simm.s32 @p2 $0x1082  }
0x22: {  	[simem:s7], [sflag:s8] =	dma.local @!p0 [hbm:s6], $0xF7A  }
0x23: {  	s9 =	sor.u32 $0xD0000000, s2;
	s6 =	simm.s32 $0x108;
	_ =	swait.ge @!p0 [sflag:s8], $0x0  }
0x24: {  	s3 =	sadd.s32 $0x88, s3;
	s6 =	simm.s32 @!p1 $0x1082;
	[sflag:s4] =	ssyncset.s32 $0xFFFFF086  }
0x25: {  	[simem:s6], [sflag:s4] =	dma.local [hbm:s3], $0xF7A  }
0x26: {  	[smem:$0x3F9F] =	sst s1;
	(tag) =	ssettag s2;
	_ =	strace s9  }
0x27: {  	s1 =	sld [smem:$0x3FAF]  }
0x28: {  	s2 =	sld [smem:$0x3FB0]  }
0x29: {  	s4 =	sld [smem:$0x3FB2]  }
0x2a: {  	p0 =	seq.s32 s5, $0x0;
	s5 =	sld [smem:$0x3FB3]  }
0x2b: {  	s6 =	sld [smem:$0x3FB4]  }
0x2c: {  	s7 =	sld [smem:$0x3FB5]  }
0x2d: {  	s3 =	simm.s32 $0x108;
	s8 =	sld [smem:$0x3FB6]  }
0x2e: {  	s3 =	simm.s32 @!p0 $0x1082;
	s9 =	sld [smem:$0x3FB7]  }
0x2f: {  	lr =	sadd.s32 s0, s3;
	s0 =	sld [smem:$0x3FAE]  }
0x30: {  	s3 =	sld [smem:$0x3FB1]  }
0x31: {  	[smem:$0x3FBA] =	sst s10  }
0x32: {  	s10 =	sld [smem:$0x3FB8];
	_ =	sdelay $0x3  }
0x33: {  	p0 =	seq.s32 s10, $0x1;
	s10 =	sld [smem:$0x3FBA];
	_ =	sdelay $0x3  }
0x34: {  	[smem:$0x3FBA] =	sst s10  }
0x35: {  	s10 =	sld [smem:$0x3FB9];
	_ =	sdelay $0x3  }
0x36: {  	p1 =	seq.s32 s10, $0x1;
	s10 =	sld [smem:$0x3FBA];
	_ =	sdelay $0x3  }
0x37: {  	[smem:$0x3FBA] =	sst s10  }
0x38: {  	s10 =	sld [smem:$0x3FBB]  }
0x39: {  	_ = 	snop;
	(pc) =	sbr.ind lr, $3  }
0x3a: {  	_ = 	snop  }
0x3b: {  	_ = 	snop  }
0x3c: {  	p2 =	seq.s32 s10, $0x1;
	s10 =	sld [smem:$0x3FBA]  }
0x3d: {  	_ =	shalt  }
0x3e: {  	_ =	shalt  }
0x3f: {  	_ =	shalt  }
0x40: {  	_ =	shalt  }
0x41: {  	_ =	shalt  }
0x42: {  	_ =	shalt  }
0x43: {  	_ =	shalt  }
0x44: {  	_ =	shalt  }
0x45: {  	_ =	shalt  }
0x46: {  	_ =	shalt  }
0x47: {  	_ =	shalt  }
0x48: {  	_ =	shalt  }
0x49: {  	_ =	shalt  }
0x4a: {  	_ =	shalt  }
0x4b: {  	_ =	shalt  }
0x4c: {  	_ =	shalt  }
0x4d: {  	_ =	shalt  }
0x4e: {  	_ =	shalt  }
0x4f: {  	_ =	shalt  }
0x50: {  	_ =	shalt  }
0x51: {  	_ =	shalt  }
0x52: {  	_ =	shalt  }
0x53: {  	_ =	shalt  }
0x54: {  	_ =	shalt  }
0x55: {  	_ =	shalt  }
0x56: {  	_ =	shalt  }
0x57: {  	_ =	shalt  }
0x58: {  	_ =	shalt  }
0x59: {  	_ =	shalt  }
0x5a: {  	_ =	shalt  }
0x5b: {  	_ =	shalt  }
0x5c: {  	_ =	shalt  }
0x5d: {  	_ =	shalt  }
0x5e: {  	_ =	shalt  }
0x5f: {  	_ =	shalt  }
0x60: {  	_ =	shalt  }
0x61: {  	_ =	shalt  }
0x62: {  	_ =	shalt  }
0x63: {  	_ =	shalt  }
0x64: {  	_ =	shalt  }
0x65: {  	_ =	shalt  }
0x66: {  	_ =	shalt  }
0x67: {  	_ =	shalt  }
0x68: {  	_ =	shalt  }
0x69: {  	_ =	shalt  }
0x6a: {  	_ =	shalt  }
0x6b: {  	_ =	shalt  }
0x6c: {  	_ =	shalt  }
0x6d: {  	_ =	shalt  }
0x6e: {  	_ =	shalt  }
0x6f: {  	_ =	shalt  }
0x70: {  	_ =	shalt  }
0x71: {  	_ =	shalt  }
0x72: {  	_ =	shalt  }
0x73: {  	_ =	shalt  }
0x74: {  	_ =	shalt  }
0x75: {  	_ =	shalt  }
0x76: {  	_ =	shalt  }
0x77: {  	_ =	shalt  }
0x78: {  	_ =	shalt  }
0x79: {  	_ =	shalt  }
0x7a: {  	_ =	shalt  }
0x7b: {  	_ =	shalt  }
0x7c: {  	_ =	shalt  }
0x7d: {  	_ =	shalt  }
0x7e: {  	_ =	shalt  }
0x7f: {  	_ =	shalt  }
0x80: {  	_ =	shalt  }
0x81: {  	_ =	shalt  }
0x82: {  	_ =	shalt  }
0x83: {  	_ =	shalt  }
0x84: {  	_ =	shalt  }
0x85: {  	_ =	shalt  }
0x86: {  	_ =	shalt  }
0x87: {  	_ =	shalt  }
.Lfunc_end0:
.L_simem_size_0:
called_computation_lowered:
.L_overlay_start_0:
0x88: {  	s2 =	sld [smem:$0x3FD9]  }
0x89: {  	s3 =	sld [smem:$0x3FFE];
	_ =	sdelay $0x1  }
0x8a: {  	s1 =	srdreg.scid  }
0x8b: {  	s0 =	sand.u32 $0x1, s1  }
0x8c: {  	s18 =	sshll.u32 s0, $0xA;
	s2 =	sadd.s32 s3, s2  }
0x8d: {  	s2 =	sadd.s32 s2, s18  }
0x8e: {  	[smem:$0x3FC6] =	sst s2  }
0x8f: {  	_ = 	snop  }
0x90: {  	s2 =	sld [smem:$0x3FC9]  }
0x91: {  	s19 =	sld [smem:$0x3FC8]  }
0x92: {  	s4 =	sld [smem:$0x3FD0];
	(tm) =	ssettm $0x1  }
0x93: {  	s5 =	sld [smem:$0x3FFB];
	_ =	sdelay $0x3  }
0x94: {  	_ =	strace s5  }
0x95: {  	s5 =	sld [smem:$0x3FFC];
	_ =	sdelay $0x3  }
0x96: {  	_ =	strace s5  }
0x97: {  	s5 =	sld [smem:$0x3FFD];
	_ =	sdelay $0x3  }
0x98: {  	_ =	strace s5  }
0x99: {  	_ =	strace $0x8FFFFFFF  }
0x9a: {  	s20 =	sld [smem:$0x3FDB];
	_ =	sdelay $0x1  }
0x9b: {  	s6 =	simm.s32 $_scs_section_size  }
0x9c: {  	s7 =	simm.s32 $_size__tile_overlayer_lowered;
	s8 =	simm.s32 $_tile_overlayer_lowered  }
0x9d: {  	s23 =	simm.s32 $0x1BFF;
	s22 =	sshll.u32 s8, $0x1;
	s5 =	sadd.s32 s6, s20  }
0x9e: {  	s9 =	simm.s32 $0x0;
	s21 =	sshll.u32 s7, $0x1;
	s7 =	sadd.s32 s22, s5  }
0x9f: {  	[timem:s9], [sflag:s23] =	dma.local [hbm:s7], s21  }
0xa0: {  	_ =	swait.ge [sflag:s23], s21  }
0xa1: {  	s6 =	ssub.s32 $0x0, s21;
	[sflag:s23] =	ssyncset.done $0x0  }
0xa2: {  	[sflag:s23] =	ssyncadd.s32 s6;
	_ =	sdelay $0x1  }
0xa3: {  	s24 =	simm.s32 $0x1B8B  }
0xa4: {  	_ =	swait.ge [sflag:s24], $0x1  }
0xa5: {  	[sflag:s24] =	ssyncset.done $0x0  }
0xa6: {  	s25 =	simm.s32 $0x1B8E;
	[sflag:s24] =	ssyncadd.s32 $0xFFFFFFFF  }
0xa7: {  	s26 =	simm.s32 $execute0_lowered;
	[smem:$0x3FD2] =	sst s25  }
0xa8: {  	s6 =	sshll.u32 s26, $0x1;
	_ =	strace $0x80000046;
	[dreg:$0x1] =	wrdreg $0xFFFFFFFF  }
0xa9: {  	s28 =	simm.s32 $_size_execute0_lowered;
	s5 =	sadd.s32 s5, s6;
	[dreg:$0x0] =	wrdreg $0x0  }
0xaa: {  	s6 =	sshll.u32 s28, $0x1;
	[dreg:$0x2] =	wrdreg s5  }
0xab: {  	[dreg:$0x3] =	wrdreg s6  }
0xac: {  	[dreg:$0x4] =	wrdreg $0xC0  }
0xad: {  	_ =	task [dreg:s9], $0x5FFFF  }
0xae: {  	[dreg:$0x1] =	wrdreg $0xFFFFFFFF  }
0xaf: {  	[dreg:$0x0] =	wrdreg $0x60  }
0xb0: {  	[dreg:$0x2] =	wrdreg s2  }
0xb1: {  	[dreg:$0x3] =	wrdreg s19  }
0xb2: {  	[dreg:$0x4] =	wrdreg s4  }
0xb3: {  	[dreg:$0x5] =	wrdreg $0x9  }
0xb4: {  	_ =	task.clear_ibuf [dreg:s9], $0x6FFFF;
	_ =	strace $0x90000046  }
0xb5: {  	s29 =	simm.s32 $0x9;
	_ =	strace $0x80000048  }
0xb6: {  	_ =	swait.ge [sflag:s29], $0x1  }
0xb7: {  	[sflag:s29] =	ssyncadd.s32 $0xFFFFFFFF  }
0xb8: {  	_ =	strace $0x90000048  }
0xb9: {  	_ =	sfence  }
0xba: {  	s30 =	sld [smem:$0x0];
	_ =	sdelay $0x2  }
0xbb: {  	s31 =	sshll.u32 s1, $0xD;
	s1 =	sshrl.u32 s1, $0x2  }
0xbc: {  	s3 =	sand.u32 $0x4000, s31;
	s1 =	sadd.s32 s1, s30  }
0xbd: {  	s0 =	sor.u32 s3, s0;
	s1 =	sshll.u32 s1, $0x11  }
0xbe: {  	s0 =	sor.u32 s1, s0  }
0xbf: {  	s0 =	sadd.s32 $0x8F2B, s0  }
0xc0: {  	[sflag:s0] =	ssyncadd.remote.s32 $0x1  }
0xc1: {  	_ =	sfence.sel $0xFFFF  }
0xc2: {  	[dreg:$0x0] =	wrdreg $0xFFFFFFFF;
	(pc) =	sbr.abs _section_cstart, $3  }
0xc3: {  	[dreg:$0x1] =	wrdreg $0xFFFFFFFF  }
0xc4: {  	_ =	task.clear_ibuf [dreg:s9], $0x2FFFF;
	_ =	strace $0x9FFFFFFF  }
0xc5: {  	(tm) =	ssettm $0x7FFFFFFF  }
tec
execute0_lowered:
.L_overlay_start_1:
0x0: {  	(tag) =	ssettag $0x1  }
0x1: {  	v0 =	vlaneseq.u32  }
0x2: {  	s1 =	rddreg [dreg:$0x0];
	s0 =	simm.s32 $0x0;
	v1 =	vmul.u32 $0x40, v0  }
0x3: {  	[smem:$0x7FF] =	sst s0  }
0x4: {  	s3 =	rddreg [dreg:$0x2];
	_ =	strace $0x80000047;
	v2 =	vor.u32 $0x80000400, v1  }
0x5: {  	(xrf0) =	vmax.scan.msk.u32 $0xffff, v2;
	_ =	sdelay $0x1  }
0x6: {  	s29 =	srdreg.scid  }
0x7: {  	s5 =	stileid.u32;
	s0 =	sand.u32 $0x1, s29  }
.Ltmp0:
0x8: {  	v6 =	vimm.s32 $0x3FF;
	s30 =	sshll.u32 s5, $0x3;
	s2 =	ssub.s32 $0x2, s0;
	(pc) =	sbr.rel .LBB2_1-.Ltmp0, $4  }
0x9: {  	v7 =	vimm.s32 $0x0;
	v4 =	vmul.u32 $0x40000, v0;
	v5 =	vmul.u32 $0xFFFC0000, v0;
	s0 =	sor.u32 $0x480, s0;
	s31 =	sshrl.u32 s30, $0x2;
	s4 =	sshrl.u32 s2, $0x1  }
0xa: {  	v8 =	vimm.s32 $0x1;
	s9 =	simm.s32 $0x1;
	v13 =	vimm.f32 $0.0e+00;
	v14 =	vimm.f32 $1.000000000e+00;
	s0 =	sadd.s32 s31, s0;
	s2 =	ssub.s32 s2, s4;
	v3, _, _ =	vpop (xrf0)  }
0xb: {  	s10 =	simm.s32 $0x8600;
	v9 =	vor.u32 $0x400000, v4;
	v10 =	vadd.s32 $0xFFC00000, v5;
	[dreg:$0x5] =	wrdreg s0;
	s2 =	smax.u32 s2, $0x1;
	v3 =	vxor.u32 $0x7FFFFFFF, v3  }
0xc: {  	s12 =	simm.s32 $0x3;
	v11 =	vor.u32 $0x400, v1;
	v12 =	vor.u32 $0x800, v1;
	[dreg:$0x4] =	wrdreg s2;
	s2 =	simm.s32 $0x0;
	v3 =	vadd.s32 $0x1, v3  }
.LBB2_33:
0xd: {  	[sflag:s12] =	ssyncadd.s32 $0xFFFFFC00  }
.LBB2_34:
0xe: {  	s2 =	sadd.s32 $0x1, s2;
	s0 =	rddreg [dreg:$0x4]  }
0xf: {  	p0 =	sne.s32 s2, s0  }
.Ltmp1:
0x10: {  	_ = 	snop;
	(pc) =	sbr.rel @!p0 .LBB2_35-.Ltmp1, $1  }
0x11: {  	_ =	sdelay $0x3  }
.LBB2_1:
0x12: {  	[dreg:$0x6] =	wrdreg s2  }
0x13: {  	s0 =	rddreg [dreg:$0x1];
	s23 =	simm.s32 $0x0;
	s24 =	simm.s32 $0x4  }
0x14: {  	[tilespmem:s23], [sflag:$0x4] =	stream.linear.gather [hbm4b:s0+s23], $0x401, $0x38;
	[tilespmem:$0x18E00] =	vst v63  }
0x15: {  	_ =	swait.ge [sflag:s24], $0x401  }
0x16: {  	[sflag:s24] =	ssyncset.done $0x0  }
0x17: {  	[sflag:s24] =	ssyncadd.s32 $0xFFFFFBFF  }
0x18: {  	v15 =	vld.idx.msk [tilespmem:v6+s23+$0x0], $0xffff;
	_ =	sdelay $0x4  }
0x19: {  	vm0 =	vlt.s32 v15, v4  }
0x1a: {  	v15 =	vsel vm0, $0x400, v7  }
0x1b: {  	v16 =	vor.u32 $0x1FF, v15  }
0x1c: {  	v17 =	vmin.u32 v16, $0x400;
	_ =	sdelay $0x4  }
0x1d: {  	v17 =	vld.idx.msk [tilespmem:v17+s23+$0x0], $0xffff;
	_ =	sdelay $0x4  }
0x1e: {  	vm6 =	vlt.u32 v16, $0x401;
	vm1 =	vlt.s32 v17, v4  }
0x1f: {  	v34 =	vor.u32 $0x200, v15;
	vm0 =	vmand vm1, vm6  }
0x20: {  	v15 =	vsel vm0, v34, v15  }
0x21: {  	v16 =	vor.u32 $0xFF, v15  }
0x22: {  	v35 =	vmin.u32 v16, $0x400;
	_ =	sdelay $0x4  }
0x23: {  	v17 =	vld.idx.msk [tilespmem:v35+s23+$0x0], $0xffff;
	_ =	sdelay $0x4  }
0x24: {  	vm7 =	vlt.u32 v16, $0x401;
	vm8 =	vlt.s32 v17, v4  }
0x25: {  	v36 =	vor.u32 $0x100, v15;
	vm0 =	vmand vm8, vm7  }
0x26: {  	v15 =	vsel vm0, v36, v15  }
0x27: {  	v16 =	vor.u32 $0x7F, v15  }
0x28: {  	v37 =	vmin.u32 v16, $0x400;
	_ =	sdelay $0x4  }
0x29: {  	v17 =	vld.idx.msk [tilespmem:v37+s23+$0x0], $0xffff;
	_ =	sdelay $0x4  }
0x2a: {  	vm9 =	vlt.u32 v16, $0x401;
	vm10 =	vlt.s32 v17, v4  }
0x2b: {  	v38 =	vor.u32 $0x80, v15;
	vm0 =	vmand vm10, vm9  }
0x2c: {  	v15 =	vsel vm0, v38, v15  }
0x2d: {  	v16 =	vmin.u32 v15, $0x3C1  }
0x2e: {  	v16 =	vadd.s32 $0x3F, v16;
	_ =	sdelay $0x4  }
0x2f: {  	v16 =	vld.idx.msk [tilespmem:v16+s23+$0x0], $0xffff;
	_ =	sdelay $0x4  }
0x30: {  	vm0 =	vlt.u32 v15, $0x3C2;
	vm11 =	vlt.s32 v16, v4  }
0x31: {  	v39 =	vadd.s32 $0x40, v15;
	vm0 =	vmand vm11, vm0  }
0x32: {  	v15 =	vsel vm0, v39, v15  }
0x33: {  	v16 =	vmin.u32 v15, $0x3E1  }
0x34: {  	v16 =	vadd.s32 $0x1F, v16;
	_ =	sdelay $0x4  }
0x35: {  	v16 =	vld.idx.msk [tilespmem:v16+s23+$0x0], $0xffff;
	_ =	sdelay $0x4  }
0x36: {  	vm0 =	vlt.u32 v15, $0x3E2;
	vm12 =	vlt.s32 v16, v4  }
0x37: {  	v40 =	vadd.s32 $0x20, v15;
	vm0 =	vmand vm12, vm0  }
0x38: {  	v15 =	vsel vm0, v40, v15  }
0x39: {  	v16 =	vmin.u32 v15, $0x3F1  }
0x3a: {  	v16 =	vadd.s32 $0xF, v16;
	_ =	sdelay $0x4  }
0x3b: {  	v16 =	vld.idx.msk [tilespmem:v16+s23+$0x0], $0xffff;
	_ =	sdelay $0x4  }
0x3c: {  	vm0 =	vlt.u32 v15, $0x3F2;
	vm13 =	vlt.s32 v16, v4  }
0x3d: {  	v41 =	vadd.s32 $0x10, v15;
	vm0 =	vmand vm13, vm0  }
0x3e: {  	v15 =	vsel vm0, v41, v15  }
0x3f: {  	v16 =	vmin.u32 v15, $0x3F9  }
0x40: {  	v16 =	vadd.s32 $0x7, v16;
	_ =	sdelay $0x4  }
0x41: {  	v16 =	vld.idx.msk [tilespmem:v16+s23+$0x0], $0xffff;
	_ =	sdelay $0x4  }
0x42: {  	vm0 =	vlt.u32 v15, $0x3FA;
	vm14 =	vlt.s32 v16, v4  }
0x43: {  	v42 =	vadd.s32 $0x8, v15;
	vm0 =	vmand vm14, vm0  }
0x44: {  	v15 =	vsel vm0, v42, v15  }
0x45: {  	v16 =	vmin.u32 v15, $0x3FD  }
0x46: {  	v16 =	vadd.s32 $0x3, v16;
	_ =	sdelay $0x4  }
0x47: {  	v16 =	vld.idx.msk [tilespmem:v16+s23+$0x0], $0xffff;
	_ =	sdelay $0x4  }
0x48: {  	vm0 =	vlt.u32 v15, $0x3FE;
	vm15 =	vlt.s32 v16, v4  }
0x49: {  	v43 =	vadd.s32 $0x4, v15;
	vm0 =	vmand vm15, vm0  }
0x4a: {  	v15 =	vsel vm0, v43, v15  }
0x4b: {  	v16 =	vmin.u32 v15, $0x3FF  }
0x4c: {  	v16 =	vadd.s32 $0x1, v16;
	_ =	sdelay $0x4  }
0x4d: {  	v16 =	vld.idx.msk [tilespmem:v16+s23+$0x0], $0xffff;
	_ =	sdelay $0x4  }
0x4e: {  	vm0 =	vlt.u32 v15, $0x400;
	vm4 =	vlt.s32 v16, v4  }
0x4f: {  	v44 =	vadd.s32 $0x2, v15;
	vm0 =	vmand vm4, vm0  }
0x50: {  	v15 =	vsel vm0, v44, v15  }
0x51: {  	v16 =	vmin.u32 v15, $0x400;
	_ =	sdelay $0x4  }
0x52: {  	v16 =	vld.idx.msk [tilespmem:v16+s23+$0x0], $0xffff;
	_ =	sdelay $0x4  }
0x53: {  	vm0 =	vlt.u32 v15, $0x401;
	vm5 =	vlt.s32 v16, v4  }
0x54: {  	vm0 =	vmand vm5, vm0  }
0x55: {  	v45 =	vsel vm0, $0x1, v7  }
0x56: {  	v15 =	vadd.s32 v45, v15  }
0x57: {  	v16 =	vmax.u32 v15, $0x1;
	v15 =	vmin.u32 v15, $0x400  }
0x58: {  	v16 =	vsub.s32 v16, v8;
	_ =	sdelay $0x3  }
0x59: {  	v18 =	vld.idx.msk [tilespmem:v15+s23+$0x0], $0xffff  }
0x5a: {  	v46 =	vld.idx.msk [tilespmem:v16+s23+$0x0], $0xffff;
	_ =	sdelay $0x4  }
0x5b: {  	v18 =	vadd.s32 v5, v18;
	v17 =	vsub.s32 v4, v46  }
0x5c: {  	vm6 =	vgt.s32 v17, v18  }
0x5d: {  	vm7 =	veq.s32 v0, $0x0;
	v15 =	vsel vm6, v15, v16  }
0x5e: {  	v15 =	vsel vm7, $0x0, v15  }
0x5f: {  	v15 =	vxor.u32 $0x80000000, v15  }
0x60: {  	(xrf0) =	vmax.scan.msk.u32 $0xffff, v15;
	_ =	sdelay $0x5  }
0x61: {  	v15, _, _ =	vpop (xrf0)  }
0x62: {  	v15 =	vxor.u32 $0x80000000, v15  }
0x63: {  	vm8 =	vgt.s32 v15, $0x0  }
0x64: {  	v15 =	vnsel vm8, $0x0, v15  }
0x65: {  	v47 =	vmax.u32 v1, v15  }
0x66: {  	v16 =	vsub.s32 v47, v15  }
0x67: {  	v16 =	vor.u32 $0x80000000, v16  }
0x68: {  	(xrf0) =	vmax.scan.msk.u32 $0xffff, v16;
	_ =	sdelay $0x5  }
0x69: {  	v16, _, _ =	vpop (xrf0)  }
0x6a: {  	v16 =	vxor.u32 $0x7FFFFFFF, v16  }
0x6b: {  	v16 =	vadd.s32 $0x1, v16  }
0x6c: {  	vm9 =	vlt.s32 v16, $0x40000000  }
0x6d: {  	v16 =	vnsel vm9, $0x40000000, v16  }
0x6e: {  	v48 =	vadd.s32 v1, v16  }
0x6f: {  	[tilespmem:$0x480] =	vst v48  }
0x70: {  	v17 =	vld.idx.msk [tilespmem:v6+s23+$0x0], $0xffff;
	_ =	sdelay $0x4  }
0x71: {  	vm10 =	vlt.s32 v17, v9  }
0x72: {  	v17 =	vsel vm10, $0x400, v7  }
0x73: {  	v49 =	vor.u32 $0x1FF, v17  }
0x74: {  	v19 =	vmin.u32 v49, $0x400;
	_ =	sdelay $0x4  }
0x75: {  	v19 =	vld.idx.msk [tilespmem:v19+s23+$0x0], $0xffff;
	_ =	sdelay $0x4  }
0x76: {  	vm11 =	vlt.u32 v49, $0x401;
	vm12 =	vlt.s32 v19, v9  }
0x77: {  	v50 =	vor.u32 $0x200, v17;
	vm0 =	vmand vm12, vm11  }
0x78: {  	v17 =	vsel vm0, v50, v17  }
0x79: {  	v18 =	vor.u32 $0xFF, v17  }
0x7a: {  	v51 =	vmin.u32 v18, $0x400;
	_ =	sdelay $0x4  }
0x7b: {  	v19 =	vld.idx.msk [tilespmem:v51+s23+$0x0], $0xffff;
	_ =	sdelay $0x4  }
0x7c: {  	vm13 =	vlt.u32 v18, $0x401;
	vm14 =	vlt.s32 v19, v9  }
0x7d: {  	v52 =	vor.u32 $0x100, v17;
	vm0 =	vmand vm14, vm13  }
0x7e: {  	v17 =	vsel vm0, v52, v17  }
0x7f: {  	v18 =	vor.u32 $0x7F, v17  }
0x80: {  	v53 =	vmin.u32 v18, $0x400;
	_ =	sdelay $0x4  }
0x81: {  	v19 =	vld.idx.msk [tilespmem:v53+s23+$0x0], $0xffff;
	_ =	sdelay $0x4  }
0x82: {  	vm15 =	vlt.u32 v18, $0x401;
	vm4 =	vlt.s32 v19, v9  }
0x83: {  	v54 =	vor.u32 $0x80, v17;
	vm0 =	vmand vm4, vm15  }
0x84: {  	v17 =	vsel vm0, v54, v17  }
0x85: {  	v18 =	vmin.u32 v17, $0x3C1  }
0x86: {  	v18 =	vadd.s32 $0x3F, v18;
	_ =	sdelay $0x4  }
0x87: {  	v18 =	vld.idx.msk [tilespmem:v18+s23+$0x0], $0xffff;
	_ =	sdelay $0x4  }
0x88: {  	vm0 =	vlt.u32 v17, $0x3C2;
	vm5 =	vlt.s32 v18, v9  }
0x89: {  	v55 =	vadd.s32 $0x40, v17;
	vm0 =	vmand vm5, vm0  }
0x8a: {  	v17 =	vsel vm0, v55, v17  }
0x8b: {  	v18 =	vmin.u32 v17, $0x3E1  }
0x8c: {  	v18 =	vadd.s32 $0x1F, v18;
	_ =	sdelay $0x4  }
0x8d: {  	v18 =	vld.idx.msk [tilespmem:v18+s23+$0x0], $0xffff;
	_ =	sdelay $0x4  }
0x8e: {  	vm0 =	vlt.u32 v17, $0x3E2;
	vm6 =	vlt.s32 v18, v9  }
0x8f: {  	v56 =	vadd.s32 $0x20, v17;
	vm0 =	vmand vm6, vm0  }
0x90: {  	v17 =	vsel vm0, v56, v17  }
0x91: {  	v18 =	vmin.u32 v17, $0x3F1  }
0x92: {  	v18 =	vadd.s32 $0xF, v18;
	_ =	sdelay $0x4  }
0x93: {  	v18 =	vld.idx.msk [tilespmem:v18+s23+$0x0], $0xffff;
	_ =	sdelay $0x4  }
0x94: {  	vm0 =	vlt.u32 v17, $0x3F2;
	vm7 =	vlt.s32 v18, v9  }
0x95: {  	v57 =	vadd.s32 $0x10, v17;
	vm0 =	vmand vm7, vm0  }
0x96: {  	v17 =	vsel vm0, v57, v17  }
0x97: {  	v18 =	vmin.u32 v17, $0x3F9  }
0x98: {  	v18 =	vadd.s32 $0x7, v18;
	_ =	sdelay $0x4  }
0x99: {  	v18 =	vld.idx.msk [tilespmem:v18+s23+$0x0], $0xffff;
	_ =	sdelay $0x4  }
0x9a: {  	vm0 =	vlt.u32 v17, $0x3FA;
	vm8 =	vlt.s32 v18, v9  }
0x9b: {  	v58 =	vadd.s32 $0x8, v17;
	vm0 =	vmand vm8, vm0  }
0x9c: {  	v17 =	vsel vm0, v58, v17  }
0x9d: {  	v18 =	vmin.u32 v17, $0x3FD  }
0x9e: {  	v18 =	vadd.s32 $0x3, v18;
	_ =	sdelay $0x4  }
0x9f: {  	v18 =	vld.idx.msk [tilespmem:v18+s23+$0x0], $0xffff;
	_ =	sdelay $0x4  }
0xa0: {  	vm0 =	vlt.u32 v17, $0x3FE;
	vm9 =	vlt.s32 v18, v9  }
0xa1: {  	v59 =	vadd.s32 $0x4, v17;
	vm0 =	vmand vm9, vm0  }
0xa2: {  	v17 =	vsel vm0, v59, v17  }
0xa3: {  	v18 =	vmin.u32 v17, $0x3FF  }
0xa4: {  	v18 =	vadd.s32 $0x1, v18;
	_ =	sdelay $0x4  }
0xa5: {  	v18 =	vld.idx.msk [tilespmem:v18+s23+$0x0], $0xffff;
	_ =	sdelay $0x4  }
0xa6: {  	vm0 =	vlt.u32 v17, $0x400;
	vm10 =	vlt.s32 v18, v9  }
0xa7: {  	v60 =	vadd.s32 $0x2, v17;
	vm0 =	vmand vm10, vm0  }
0xa8: {  	v17 =	vsel vm0, v60, v17  }
0xa9: {  	v18 =	vmin.u32 v17, $0x400;
	_ =	sdelay $0x4  }
0xaa: {  	v18 =	vld.idx.msk [tilespmem:v18+s23+$0x0], $0xffff;
	_ =	sdelay $0x4  }
0xab: {  	vm0 =	vlt.u32 v17, $0x401;
	vm11 =	vlt.s32 v18, v9  }
0xac: {  	vm0 =	vmand vm11, vm0  }
0xad: {  	v61 =	vsel vm0, $0x1, v7  }
0xae: {  	v17 =	vadd.s32 v61, v17  }
0xaf: {  	v18 =	vmax.u32 v17, $0x1;
	v17 =	vmin.u32 v17, $0x400  }
0xb0: {  	v18 =	vsub.s32 v18, v8;
	_ =	sdelay $0x3  }
0xb1: {  	v20 =	vld.idx.msk [tilespmem:v17+s23+$0x0], $0xffff  }
0xb2: {  	v62 =	vld.idx.msk [tilespmem:v18+s23+$0x0], $0xffff;
	_ =	sdelay $0x4  }
0xb3: {  	v20 =	vadd.s32 v10, v20;
	v19 =	vsub.s32 v9, v62  }
0xb4: {  	vm12 =	vgt.s32 v19, v20  }
0xb5: {  	v17 =	vsel vm12, v17, v18  }
0xb6: {  	v17 =	vxor.u32 $0x80000000, v17  }
0xb7: {  	(xrf0) =	vmax.scan.msk.u32 $0xffff, v17;
	_ =	sdelay $0x5  }
0xb8: {  	v15 =	vbroadcast v15, $0xF;
	v17, _, _ =	vpop (xrf0)  }
0xb9: {  	v17 =	vxor.u32 $0x80000000, v17  }
0xba: {  	vm13 =	vgt.s32 v17, v15  }
0xbb: {  	v15 =	vsel vm13, v17, v15  }
0xbc: {  	v15 =	vmax.u32 v15, v1  }
0xbd: {  	v15 =	vmin.u32 v15, $0x400  }
0xbe: {  	v15 =	vsub.s32 v2, v15  }
0xbf: {  	(xrf0) =	vmax.scan.msk.u32 $0xffff, v15;
	_ =	sdelay $0x5  }
0xc0: {  	v15, _, _ =	vpop (xrf0)  }
0xc1: {  	v16 =	vbroadcast v16, $0xF;
	v15 =	vxor.u32 $0x7FFFFFFF, v15  }
0xc2: {  	v15 =	vadd.s32 $0x1, v15  }
0xc3: {  	vm14 =	vlt.s32 v15, v16  }
0xc4: {  	v15 =	vsel vm14, v15, v16  }
0xc5: {  	v16 =	vbroadcast v15, $0xF;
	_ =	sdelay $0x1  }
0xc6: {  	vm15 =	vlt.s32 v3, v16  }
0xc7: {  	v15 =	vadd.s32 v11, v15;
	v16 =	vsel vm15, v3, v16  }
0xc8: {  	[tilespmem:$0x490] =	vst v15;
	v15 =	vadd.s32 v12, v16  }
0xc9: {  	s25 =	rddreg [dreg:$0x5];
	[tilespmem:$0x4A0] =	vst v15  }
0xca: {  	v15 =	vld [tilespmem:s25+$0x0];
	_ =	sdelay $0x4  }
0xcb: {  	(v2sf) =	vpush v15, $0x0  }
0xcc: {  	(v2sf) =	vpush v15, $0x1;
	_ =	sdelay $0xd  }
0xcd: {  	s14 =	spop (v2sf)  }
0xce: {  	s26 =	spop (v2sf);
	v15 =	vld [tilespmem:s14+$0x0]  }
0xcf: {  	v63 =	vld [tilespmem:s26+$0x0];
	_ =	sdelay $0x3  }
0xd0: {  	(v2sf) =	vpush v15, $0x0  }
0xd1: {  	(v2sf) =	vpush v63, $0x0;
	_ =	sdelay $0xd  }
0xd2: {  	s15 =	spop (v2sf)  }
0xd3: {  	s28 =	spop (v2sf)  }
0xd4: {  	s29 =	sshra.s32 s15, $0x1F;
	s4 =	sand.u32 $0x7, s15;
	p0 =	slt.s32 s15, $0x1  }
0xd5: {  	s16 =	ssub.s32 s28, s15;
	s2 =	sshrl.u32 s29, $0x1D;
	p1 =	sne.s32 s4, $0x0  }
0xd6: {  	s2 =	sadd.s32 s2, s15;
	p0 =	por !p0, !p1;
	s30 =	sadd.s32 $0x3FFF, s16  }
0xd7: {  	s2 =	sshrl.u32 s2, $0x3;
	p0 =	por !p0, !p0;
	s5 =	sand.u32 $0x3FFF, s30  }
0xd8: {  	s6 =	sshra.s32 s30, $0x1F;
	p6 =	slt.s32 s30, $0x1;
	p2 =	sne.s32 s5, $0x0  }
0xd9: {  	s5 =	simm.s32 $0x1;
	s6 =	sshrl.u32 s6, $0x12;
	p1 =	por !p6, !p2  }
0xda: {  	s4 =	sadd.s32 s6, s30;
	s6 =	simm.s32 $0x1;
	p1 =	por !p1, !p1  }
0xdb: {  	s5 =	simm.s32 @!p0 $0x0;
	s4 =	sshra.s32 s4, $0xE;
	s6 =	simm.s32 @!p1 $0x0  }
0xdc: {  	s2 =	ssub.s32 s2, s5;
	s17 =	ssub.s32 s4, s6  }
0xdd: {  	s18 =	sshll.u32 s2, $0x3;
	p0 =	slt.s32 s17, $0x1  }
0xde: {  	p1 =	slt.s32 @!p0 s18, $0x7FBFF8  }
0xdf: {  	s2 =	smov.u32 s18;
	p1 =	por !p1, p0  }
0xe0: {  	s2 =	simm.s32 @p1 $0x7FBFF8  }
0xe1: {  	s4 =	simm.s32 @!p0 $0x0;
	p1 =	seq.s32 @!p0 s17, $0x1;
	s2 =	sshrl.u32 @!p0 s2, $0x3  }
0xe2: {  	s5 =	simm.s32 @!p0 $0x500;
	p2 =	por p1, p0;
	s2 =	sadd.s32 @!p0 s1, s2  }
0xe3: {  	[tilespmem:s5], [sflag:$0x1] =	stream.linear.gather @!p0 [hbm4b:s2+s4], $0x4008, $0x38;
	[tilespmem:$0x18E00] =	vst v63  }
0xe4: {  	s2 =	sadd.s32 @!p2 $0x4000, s18  }
0xe5: {  	p3 =	slt.s32 @!p2 s2, $0x7FBFF8  }
0xe6: {  	p1 =	por @!p0 !p3, p1  }
0xe7: {  	p0 =	por !p1, p0  }
0xe8: {  	s2 =	simm.s32 @!p0 $0x7FBFF8  }
0xe9: {  	s31 =	ssub.s32 s26, s14;
	s0 =	sshrl.u32 @!p2 s2, $0x3  }
0xea: {  	s4 =	simm.s32 @!p2 $0x4580;
	s2 =	simm.s32 @!p2 $0x0;
	s0 =	sadd.s32 @!p2 s1, s0  }
0xeb: {  	[tilespmem:s4], [sflag:$0x2] =	stream.linear.gather @!p2 [hbm4b:s0+s2], $0x4008, $0x38;
	[tilespmem:$0x18E00] =	vst v63  }
0xec: {  	s0 =	sshll.u32 s31, $0xA  }
0xed: {  	p0 =	slt.s32 s0, $0x1  }
.Ltmp2:
0xee: {  	_ = 	snop;
	(pc) =	sbr.rel @p0 .LBB2_5-.Ltmp2, $2  }
0xef: {  	_ =	sdelay $0x2  }
0xf0: {  	[dreg:$0x7] =	wrdreg s31  }
0xf1: {  	s2 =	simm.s32 $0x8640  }
0xf2: {  	[tilespmem:s2+$0xFFFFFFC0] =	vst v13  }
0xf3: {  	p0 =	sgt.s32 s0, $0x80;
	[tilespmem:s2+$0x30] =	vst v13  }
.Ltmp3:
0xf4: {  	[tilespmem:s2+$0x20] =	vst v13;
	(pc) =	sbr.rel @!p0 .LBB2_4-.Ltmp3, $4  }
0xf5: {  	[tilespmem:s2+$0x10] =	vst v13  }
0xf6: {  	[tilespmem:s2+$0x0] =	vst v13  }
0xf7: {  	[tilespmem:s2+$0xFFFFFFF0] =	vst v13  }
0xf8: {  	s4 =	simm.s32 $0x80;
	[tilespmem:s2+$0xFFFFFFE0] =	vst v13  }
.LBB2_3:
0xf9: {  	s4 =	sadd.s32 $0x80, s4;
	[tilespmem:s2+$0xFFFFFFD0] =	vst v13;
	s2 =	sadd.s32 $0x80, s2  }
0xfa: {  	[tilespmem:s2+$0xFFFFFFC0] =	vst v13;
	p0 =	slt.s32 s4, s0  }
0xfb: {  	[tilespmem:s2+$0x30] =	vst v13  }
.Ltmp4:
0xfc: {  	[tilespmem:s2+$0x20] =	vst v13;
	(pc) =	sbr.rel @p0 .LBB2_3-.Ltmp4, $4  }
0xfd: {  	[tilespmem:s2+$0x10] =	vst v13  }
0xfe: {  	[tilespmem:s2+$0x0] =	vst v13  }
0xff: {  	[tilespmem:s2+$0xFFFFFFF0] =	vst v13  }
0x100: {  	[tilespmem:s2+$0xFFFFFFE0] =	vst v13  }
.LBB2_4:
0x101: {  	[tilespmem:s2+$0xFFFFFFD0] =	vst v13  }
.LBB2_5:
0x102: {  	s0 =	sadd.s32 $0x1, s17  }
0x103: {  	s2 =	sand.u32 $0x1, s0  }
0x104: {  	p0 =	slt.s32 s17, $0x0;
	p1 =	seq.s32 s2, $0x1  }
0x105: {  	s31 =	sshrl.u32 s0, $0x1F;
	p0 =	por !p0, !p1  }
0x106: {  	s0 =	sadd.s32 s31, s0;
	s2 =	simm.s32 $0x1;
	p0 =	por !p0, !p0  }
0x107: {  	s0 =	sshra.s32 s0, $0x1;
	s2 =	simm.s32 @!p0 $0x0  }
0x108: {  	s20 =	ssub.s32 s0, s2  }
0x109: {  	p0 =	slt.s32 s20, $0x1  }
.Ltmp5:
0x10a: {  	_ = 	snop;
	(pc) =	sbr.rel @p0 .LBB2_30-.Ltmp5, $1  }
0x10b: {  	_ =	sdelay $0x3  }
.Ltmp6:
0x10c: {  	(pc) =	sbr.rel .LBB2_7-.Ltmp6, $3  }
0x10d: {  	_ =	sdelay $0x1  }
0x10e: {  	s21 =	sadd.s32 $0x4000, s18  }
0x10f: {  	s22 =	simm.s32 $0x0;
	v15 =	vmov s14;
	s23 =	smov.u32 s18;
	s24 =	simm.s32 $0x0  }
.LBB2_28:
0x110: {  	s0 =	sadd.s32 $0x3, s25  }
0x111: {  	p0 =	sge.s32 s0, s17  }
0x112: {  	s0 =	sshll.u32 @!p0 s0, $0xE  }
0x113: {  	s0 =	sadd.s32 @!p0 s18, s0  }
0x114: {  	p1 =	slt.s32 @!p0 s0, $0x7FBFF8  }
0x115: {  	p1 =	por !p1, p0  }
0x116: {  	s0 =	simm.s32 @p1 $0x7FBFF8  }
0x117: {  	s0 =	sshrl.u32 @!p0 s0, $0x3  }
0x118: {  	s2 =	simm.s32 @!p0 $0x0;
	s4 =	simm.s32 @!p0 $0x4580;
	s0 =	sadd.s32 @!p0 s1, s0  }
0x119: {  	[tilespmem:s4], [sflag:$0x2] =	stream.linear.gather @!p0 [hbm4b:s0+s2], $0x4008, $0x38;
	[tilespmem:$0x18E00] =	vst v63  }
.LBB2_29:
0x11a: {  	s24 =	sadd.s32 $0x1, s24  }
0x11b: {  	p0 =	seq.s32 s24, s20  }
.Ltmp7:
0x11c: {  	_ = 	snop;
	(pc) =	sbr.rel @p0 .LBB2_30-.Ltmp7, $2  }
0x11d: {  	_ =	sdelay $0x2  }
0x11e: {  	s23 =	sadd.s32 $0x8000, s23;
	s21 =	sadd.s32 $0x8000, s21  }
.LBB2_7:
0x11f: {  	s0 =	sshll.u32 s24, $0xF  }
0x120: {  	s2 =	ssub.s32 s16, s0  }
0x121: {  	p0 =	slt.s32 s2, $0x4000  }
0x122: {  	s31 =	sadd.s32 s15, s0;
	s2 =	simm.s32 @!p0 $0x4000  }
0x123: {  	s25 =	sadd.s32 s31, s2  }
0x124: {  	p0 =	sge.s32 s31, s25  }
.Ltmp8:
0x125: {  	_ = 	snop;
	(pc) =	sbr.rel @p0 .LBB2_17-.Ltmp8, $4  }
0x126: {  	_ = 	snop  }
0x127: {  	_ =	swait.ge [sflag:s9], $0x4008  }
0x128: {  	[sflag:s9] =	ssyncset.done $0x0  }
0x129: {  	[sflag:s9] =	ssyncadd.s32 $0xFFFFBFF8  }
0x12a: {  	p0 =	slt.s32 s23, $0x7FBFF8;
	s2 =	smov.u32 s23  }
.Ltmp9:
0x12b: {  	s2 =	simm.s32 @!p0 $0x7FBFF8;
	(pc) =	sbr.rel .LBB2_9-.Ltmp9, $4  }
0x12c: {  	s2 =	sshll.u32 s2, $0x2  }
0x12d: {  	s26 =	sadd.s32 s18, s0;
	s2 =	ssub.s32 $0x0, s2  }
0x12e: {  	p0 =	slt.s32 s26, $0x7FBFF8;
	s30 =	sshra.s32 s2, $0x2  }
0x12f: {  	s26 =	simm.s32 @!p0 $0x7FBFF8;
	s28 =	sadd.s32 $0x520, s30;
	s29 =	sadd.s32 $0x500, s30  }
.LBB2_16:
0x130: {  	s4 =	sshll.u32 s8, $0x4  }
0x131: {  	s2 =	ssub.s32 s2, s4  }
0x132: {  	s7 =	ssub.s32 s31, s26;
	p1 =	slt.s32 s2, $0x1  }
0x133: {  	s4 =	sadd.s32 @!p1 s4, s7  }
0x134: {  	v16 =	vld @!p1 [tilespmem:s4+$0x500];
	_ =	sdelay $0x3  }
0x135: {  	v17 =	vmov @!p1 s2;
	v18 =	vlaneseq.u32 @!p1  }
0x136: {  	vm1 =	vgt.s32 @!p1 v17, v18;
	vm0 =	vlt.u32 @!p1 v16, $0x400  }
0x137: {  	vm0 =	vmand @!p1 vm1, vm0  }
0x138: {  	p2 =	sgt.s32 s0, s25;
	v16 =	vadd.s32 @!p1 s5, v16  }
0x139: {  	s2 =	sshll.u32 @!p2 s6, $0xA;
	s4 =	sshll.u32 @!p2 s6, $0x7  }
0x13a: {  	s2 =	sand.u32 @!p2 $0xFFFFE000, s2;
	s4 =	sand.u32 @!p2 $0x380, s4  }
0x13b: {  	s2 =	sor.u32 @!p2 s4, s2  }
0x13c: {  	v17 =	vimm.f32 @!p1 $1.000000000e+00;
	s6 =	simm.s32 @!p2 $0x400;
	s4 =	simm.s32 @!p1 $0x8600;
	s2 =	sshrl.u32 @!p2 s2, $0x3  }
.Ltmp10:
0x13d: {  	s2 =	sadd.s32 @!p2 s3, s2;
	[tilespmem:v16+s4+$0x0] =	vst.idx.add.f32.msk @!p1 vm0, v17;
	s4 =	sadd.s32 @!p2 $0x8600, s5;
	(pc) =	sbr.rel @!p0 .LBB2_17-.Ltmp10, $4  }
0x13e: {  	s5 =	simm.s32 @!p2 $0x80;
	p1 =	sle.s32 s0, s25;
	s0 =	simm.s32 $0x1  }
0x13f: {  	[hbm4b:s2+s5] =	stream.strided.scatter @!p2 [tilespmem:s4], [sflag:$0x3], $0x400, s6, s5, $0x38;
	[tilespmem:$0x18E00] =	vst v63  }
0x140: {  	s0 =	simm.s32 @!p1 $0x0  }
0x141: {  	s31 =	smov.u32 s30;
	s22 =	sadd.s32 s0, s22  }
.LBB2_9:
0x142: {  	_ =	sdelay $0x3  }
0x143: {  	v16 =	vld.idx.msk [tilespmem:v15+s22+$0x1 ss:$0x1], $0xffff;
	_ =	sdelay $0x4  }
0x144: {  	(v2sf) =	vpush v16, $0x0;
	_ =	sdelay $0xe  }
0x145: {  	s0 =	spop (v2sf)  }
0x146: {  	s30 =	smov.u32 s25;
	p0 =	slt.s32 s0, s25  }
0x147: {  	s30 =	smov.u32 @p0 s0  }
0x148: {  	s4 =	simm.s32 $0x1;
	p1 =	sne.s32 s0, s31;
	s2 =	ssub.s32 s30, s31  }
0x149: {  	s4 =	simm.s32 @!p1 $0x0;
	s5 =	sshra.s32 s2, $0x1F  }
0x14a: {  	s6 =	sand.u32 $0xF, s2;
	s4 =	sor.u32 s4, s5  }
0x14b: {  	p2 =	sne.s32 s6, $0x0;
	p6 =	sne.s32 s4, $0x1  }
0x14c: {  	s19 =	sshrl.u32 s5, $0x1C;
	p1 =	por !p2, !p6  }
0x14d: {  	s5 =	simm.s32 $0x1;
	s4 =	sadd.s32 s19, s2;
	p1 =	por !p1, !p1  }
0x14e: {  	s4 =	sshra.s32 s4, $0x4;
	s5 =	simm.s32 @!p1 $0x0  }
0x14f: {  	s8 =	ssub.s32 s4, s5  }
0x150: {  	s4 =	sshrl.u32 s8, $0x1E  }
0x151: {  	s4 =	sadd.s32 s4, s8  }
0x152: {  	s7 =	sand.u32 $0xFFFFFFFC, s4  }
0x153: {  	p1 =	slt.s32 s7, $0x1  }
.Ltmp11:
0x154: {  	_ = 	snop;
	(pc) =	sbr.rel @p1 .LBB2_13-.Ltmp11, $3  }
0x155: {  	_ =	sdelay $0x1  }
0x156: {  	s5 =	sshll.u32 s22, $0xA  }
0x157: {  	s13 =	sshll.u32 s31, $0x2;
	s6 =	sadd.s32 s14, s22;
	v16 =	vmov s5  }
0x158: {  	s4 =	sshra.s32 s13, $0x2  }
0x159: {  	s4 =	sadd.s32 s4, s28  }
0x15a: {  	v18 =	vld [tilespmem:s4+$0x10]  }
0x15b: {  	v17 =	vld [tilespmem:s4+$0xFFFFFFF0]  }
0x15c: {  	p1 =	sgt.s32 s7, $0x4;
	v21 =	vld [tilespmem:s4+$0x0]  }
.Ltmp12:
0x15d: {  	_ = 	snop;
	(pc) =	sbr.rel @!p1 .LBB2_12-.Ltmp12, $4  }
0x15e: {  	v19 =	vld [tilespmem:s4+$0xFFFFFFE0]  }
0x15f: {  	vm1 =	vlt.u32 v18, $0x400  }
0x160: {  	vm0 =	vlt.u32 v17, $0x400;
	v20 =	vadd.s32 v16, v18  }
0x161: {  	s19 =	simm.s32 $0x4;
	s4 =	sadd.s32 $0x40, s4;
	v17 =	vadd.s32 v16, v17;
	vm2 =	vlt.u32 v21, $0x400;
	v18 =	vadd.s32 v16, v21  }
.LBB2_11:
0x162: {  	v21 =	vld [tilespmem:s4+$0x10];
	s19 =	sadd.s32 $0x4, s19  }
0x163: {  	v22 =	vld [tilespmem:s4+$0xFFFFFFF0];
	p1 =	slt.s32 s19, s7;
	vm3 =	vlt.u32 v19, $0x400;
	v23 =	vadd.s32 v16, v19  }
0x164: {  	v24 =	vld [tilespmem:s4+$0x0]  }
.Ltmp13:
0x165: {  	[tilespmem:v20+s10+$0x0] =	vst.idx.add.f32.msk vm1, v14;
	(pc) =	sbr.rel @p1 .LBB2_11-.Ltmp13, $4  }
0x166: {  	v19 =	vld [tilespmem:s4+$0xFFFFFFE0]  }
0x167: {  	vm1 =	vlt.u32 v21, $0x400;
	[tilespmem:v17+s10+$0x0] =	vst.idx.add.f32.msk vm0, v14  }
0x168: {  	v20 =	vadd.s32 v16, v21;
	vm0 =	vlt.u32 v22, $0x400;
	v17 =	vadd.s32 v16, v22;
	[tilespmem:v18+s10+$0x0] =	vst.idx.add.f32.msk vm2, v14  }
0x169: {  	s4 =	sadd.s32 $0x40, s4;
	vm2 =	vlt.u32 v24, $0x400;
	v18 =	vadd.s32 v16, v24;
	[tilespmem:v23+s10+$0x0] =	vst.idx.add.f32.msk vm3, v14  }
.LBB2_12:
0x16a: {  	_ =	sdelay $0x1  }
0x16b: {  	vm3 =	vlt.u32 v19, $0x400  }
0x16c: {  	v19 =	vadd.s32 v16, v19;
	_ =	sdelay $0x1  }
0x16d: {  	[tilespmem:v20+s10+$0x0] =	vst.idx.add.f32.msk vm1, v14  }
0x16e: {  	[tilespmem:v17+s10+$0x0] =	vst.idx.add.f32.msk vm0, v14  }
0x16f: {  	[tilespmem:v18+s10+$0x0] =	vst.idx.add.f32.msk vm2, v14  }
0x170: {  	[tilespmem:v19+s10+$0x0] =	vst.idx.add.f32.msk vm3, v14  }
.LBB2_13:
0x171: {  	s4 =	ssub.s32 s8, s7  }
0x172: {  	p1 =	slt.s32 s4, $0x1  }
.Ltmp14:
0x173: {  	_ = 	snop;
	(pc) =	sbr.rel @p1 .LBB2_16-.Ltmp14, $1  }
0x174: {  	_ =	sdelay $0x3  }
0x175: {  	s4 =	sshll.u32 s7, $0x6  }
0x176: {  	s4 =	sadd.s32 s13, s4  }
0x177: {  	s4 =	sshra.s32 s4, $0x2  }
0x178: {  	s4 =	sadd.s32 s4, s29  }
.LBB2_15:
0x179: {  	v17 =	vld [tilespmem:s4+$0x0];
	_ =	sdelay $0x4  }
0x17a: {  	s7 =	sadd.s32 $0x1, s7;
	vm0 =	vlt.u32 v17, $0x400  }
0x17b: {  	p1 =	slt.s32 s7, s8;
	v17 =	vadd.s32 v16, v17  }
.Ltmp15:
0x17c: {  	_ = 	snop;
	(pc) =	sbr.rel @p1 .LBB2_15-.Ltmp15, $2  }
0x17d: {  	_ =	sdelay $0x2  }
0x17e: {  	s4 =	sadd.s32 $0x10, s4;
	[tilespmem:v17+s10+$0x0] =	vst.idx.add.f32.msk vm0, v14  }
.Ltmp16:
0x17f: {  	_ = 	snop;
	(pc) =	sbr.rel .LBB2_16-.Ltmp16, $1  }
0x180: {  	_ =	sdelay $0x3  }
.LBB2_17:
0x181: {  	s25 =	sshll.u32 s24, $0x1  }
0x182: {  	s0 =	sadd.s32 $0x2, s25  }
0x183: {  	p0 =	sge.s32 s0, s17  }
0x184: {  	s0 =	sshll.u32 @!p0 s0, $0xE  }
0x185: {  	s0 =	sadd.s32 @!p0 s18, s0  }
0x186: {  	p1 =	slt.s32 @!p0 s0, $0x7FBFF8  }
0x187: {  	p1 =	por !p1, p0  }
0x188: {  	s0 =	simm.s32 @p1 $0x7FBFF8  }
0x189: {  	s0 =	sshrl.u32 @!p0 s0, $0x3  }
0x18a: {  	s2 =	simm.s32 @!p0 $0x0;
	s4 =	simm.s32 @!p0 $0x500;
	s0 =	sadd.s32 @!p0 s1, s0  }
0x18b: {  	[tilespmem:s4], [sflag:$0x1] =	stream.linear.gather @!p0 [hbm4b:s0+s2], $0x4008, $0x38;
	[tilespmem:$0x18E00] =	vst v63  }
0x18c: {  	s0 =	sor.u32 $0x1, s25  }
0x18d: {  	p0 =	sge.s32 s0, s17  }
.Ltmp17:
0x18e: {  	_ = 	snop;
	(pc) =	sbr.rel @p0 .LBB2_29-.Ltmp17, $1  }
0x18f: {  	_ =	sdelay $0x3  }
0x190: {  	s2 =	sshll.u32 s0, $0xE  }
0x191: {  	s0 =	ssub.s32 s16, s2  }
0x192: {  	p0 =	slt.s32 s0, $0x4000  }
0x193: {  	s31 =	sadd.s32 s15, s2;
	s0 =	simm.s32 @!p0 $0x4000  }
0x194: {  	s0 =	sadd.s32 s31, s0  }
0x195: {  	p0 =	sge.s32 s31, s0  }
.Ltmp18:
0x196: {  	_ = 	snop;
	(pc) =	sbr.rel @p0 .LBB2_28-.Ltmp18, $4  }
0x197: {  	s4 =	simm.s32 $0x2  }
0x198: {  	_ =	swait.ge [sflag:s4], $0x4008  }
0x199: {  	[sflag:s4] =	ssyncset.done $0x0  }
0x19a: {  	[sflag:s4] =	ssyncadd.s32 $0xFFFFBFF8  }
0x19b: {  	p0 =	slt.s32 s21, $0x7FBFF8;
	s4 =	smov.u32 s21  }
.Ltmp19:
0x19c: {  	s4 =	simm.s32 @!p0 $0x7FBFF8;
	(pc) =	sbr.rel .LBB2_20-.Ltmp19, $4  }
0x19d: {  	s4 =	sshll.u32 s4, $0x2  }
0x19e: {  	s28 =	sadd.s32 s18, s2;
	s4 =	ssub.s32 $0x0, s4  }
0x19f: {  	p0 =	slt.s32 s28, $0x7FBFF8;
	s26 =	sshra.s32 s4, $0x2  }
0x1a0: {  	s28 =	simm.s32 @!p0 $0x7FBFF8;
	s29 =	sadd.s32 $0x45A0, s26;
	s30 =	sadd.s32 $0x4580, s26  }
.LBB2_27:
0x1a1: {  	s4 =	sshll.u32 s7, $0x4  }
0x1a2: {  	s6 =	ssub.s32 s6, s4  }
0x1a3: {  	s7 =	ssub.s32 s31, s28;
	p1 =	slt.s32 s6, $0x1  }
0x1a4: {  	s4 =	sadd.s32 @!p1 s4, s7  }
0x1a5: {  	v16 =	vld @!p1 [tilespmem:s4+$0x4580];
	_ =	sdelay $0x3  }
0x1a6: {  	v17 =	vmov @!p1 s6;
	v18 =	vlaneseq.u32 @!p1  }
0x1a7: {  	vm1 =	vgt.s32 @!p1 v17, v18;
	vm0 =	vlt.u32 @!p1 v16, $0x400  }
0x1a8: {  	p2 =	sgt.s32 s5, s0;
	vm0 =	vmand @!p1 vm1, vm0  }
0x1a9: {  	s6 =	sshll.u32 @!p2 s8, $0x7;
	s4 =	sshll.u32 @!p2 s8, $0xA;
	v16 =	vadd.s32 @!p1 s2, v16  }
0x1aa: {  	s6 =	sand.u32 @!p2 $0x380, s6;
	s4 =	sand.u32 @!p2 $0xFFFFE000, s4  }
0x1ab: {  	s4 =	sor.u32 @!p2 s6, s4  }
0x1ac: {  	s4 =	sshrl.u32 @!p2 s4, $0x3  }
0x1ad: {  	s7 =	simm.s32 @!p2 $0x400;
	v17 =	vimm.f32 @!p1 $1.000000000e+00;
	s6 =	simm.s32 @!p1 $0x8600;
	s4 =	sadd.s32 @!p2 s3, s4  }
.Ltmp20:
0x1ae: {  	s2 =	sadd.s32 @!p2 $0x8600, s2;
	[tilespmem:v16+s6+$0x0] =	vst.idx.add.f32.msk @!p1 vm0, v17;
	s6 =	simm.s32 @!p2 $0x80;
	(pc) =	sbr.rel @!p0 .LBB2_28-.Ltmp20, $4  }
0x1af: {  	[hbm4b:s4+s6] =	stream.strided.scatter @!p2 [tilespmem:s2], [sflag:$0x3], $0x400, s7, s6, $0x38;
	[tilespmem:$0x18E00] =	vst v63  }
0x1b0: {  	p1 =	sle.s32 s5, s0;
	s2 =	simm.s32 $0x1  }
0x1b1: {  	s2 =	simm.s32 @!p1 $0x0  }
0x1b2: {  	s31 =	smov.u32 s26;
	s22 =	sadd.s32 s2, s22  }
.LBB2_20:
0x1b3: {  	_ =	sdelay $0x3  }
0x1b4: {  	v16 =	vld.idx.msk [tilespmem:v15+s22+$0x1 ss:$0x1], $0xffff;
	_ =	sdelay $0x4  }
0x1b5: {  	(v2sf) =	vpush v16, $0x0;
	_ =	sdelay $0xe  }
0x1b6: {  	s5 =	spop (v2sf)  }
0x1b7: {  	s26 =	smov.u32 s0;
	p0 =	slt.s32 s5, s0  }
0x1b8: {  	s26 =	smov.u32 @p0 s5  }
0x1b9: {  	s2 =	simm.s32 $0x1;
	p1 =	sne.s32 s5, s31;
	s6 =	ssub.s32 s26, s31  }
0x1ba: {  	s2 =	simm.s32 @!p1 $0x0;
	s4 =	sshra.s32 s6, $0x1F  }
0x1bb: {  	s7 =	sand.u32 $0xF, s6;
	s2 =	sor.u32 s2, s4  }
0x1bc: {  	p2 =	sne.s32 s7, $0x0;
	p6 =	sne.s32 s2, $0x1  }
0x1bd: {  	s19 =	sshrl.u32 s4, $0x1C;
	p1 =	por !p2, !p6  }
0x1be: {  	s4 =	simm.s32 $0x1;
	s2 =	sadd.s32 s19, s6;
	p1 =	por !p1, !p1  }
0x1bf: {  	s2 =	sshra.s32 s2, $0x4;
	s4 =	simm.s32 @!p1 $0x0  }
0x1c0: {  	s7 =	ssub.s32 s2, s4  }
0x1c1: {  	s2 =	sshrl.u32 s7, $0x1E  }
0x1c2: {  	s2 =	sadd.s32 s2, s7  }
0x1c3: {  	s19 =	sand.u32 $0xFFFFFFFC, s2  }
0x1c4: {  	p1 =	slt.s32 s19, $0x1  }
.Ltmp21:
0x1c5: {  	_ = 	snop;
	(pc) =	sbr.rel @p1 .LBB2_24-.Ltmp21, $3  }
0x1c6: {  	_ =	sdelay $0x1  }
0x1c7: {  	s2 =	sshll.u32 s22, $0xA  }
0x1c8: {  	s8 =	sadd.s32 s14, s22;
	s13 =	sshll.u32 s31, $0x2;
	v16 =	vmov s2  }
0x1c9: {  	s4 =	sshra.s32 s13, $0x2  }
0x1ca: {  	s11 =	sadd.s32 s4, s29  }
0x1cb: {  	v18 =	vld [tilespmem:s11+$0x10]  }
0x1cc: {  	v17 =	vld [tilespmem:s11+$0xFFFFFFF0]  }
0x1cd: {  	p1 =	sgt.s32 s19, $0x4;
	v21 =	vld [tilespmem:s11+$0x0]  }
.Ltmp22:
0x1ce: {  	_ = 	snop;
	(pc) =	sbr.rel @!p1 .LBB2_23-.Ltmp22, $4  }
0x1cf: {  	v19 =	vld [tilespmem:s11+$0xFFFFFFE0]  }
0x1d0: {  	vm1 =	vlt.u32 v18, $0x400  }
0x1d1: {  	vm0 =	vlt.u32 v17, $0x400;
	v20 =	vadd.s32 v16, v18  }
0x1d2: {  	s4 =	simm.s32 $0x4;
	s11 =	sadd.s32 $0x40, s11;
	v17 =	vadd.s32 v16, v17;
	vm2 =	vlt.u32 v21, $0x400;
	v18 =	vadd.s32 v16, v21  }
.LBB2_22:
0x1d3: {  	v21 =	vld [tilespmem:s11+$0x10];
	s4 =	sadd.s32 $0x4, s4  }
0x1d4: {  	v22 =	vld [tilespmem:s11+$0xFFFFFFF0];
	p1 =	slt.s32 s4, s19;
	vm3 =	vlt.u32 v19, $0x400;
	v23 =	vadd.s32 v16, v19  }
0x1d5: {  	v24 =	vld [tilespmem:s11+$0x0]  }
.Ltmp23:
0x1d6: {  	[tilespmem:v20+s10+$0x0] =	vst.idx.add.f32.msk vm1, v14;
	(pc) =	sbr.rel @p1 .LBB2_22-.Ltmp23, $4  }
0x1d7: {  	v19 =	vld [tilespmem:s11+$0xFFFFFFE0]  }
0x1d8: {  	vm1 =	vlt.u32 v21, $0x400;
	[tilespmem:v17+s10+$0x0] =	vst.idx.add.f32.msk vm0, v14  }
0x1d9: {  	v20 =	vadd.s32 v16, v21;
	vm0 =	vlt.u32 v22, $0x400;
	v17 =	vadd.s32 v16, v22;
	[tilespmem:v18+s10+$0x0] =	vst.idx.add.f32.msk vm2, v14  }
0x1da: {  	s11 =	sadd.s32 $0x40, s11;
	vm2 =	vlt.u32 v24, $0x400;
	v18 =	vadd.s32 v16, v24;
	[tilespmem:v23+s10+$0x0] =	vst.idx.add.f32.msk vm3, v14  }
.LBB2_23:
0x1db: {  	_ =	sdelay $0x1  }
0x1dc: {  	vm3 =	vlt.u32 v19, $0x400  }
0x1dd: {  	v19 =	vadd.s32 v16, v19;
	_ =	sdelay $0x1  }
0x1de: {  	[tilespmem:v20+s10+$0x0] =	vst.idx.add.f32.msk vm1, v14  }
0x1df: {  	[tilespmem:v17+s10+$0x0] =	vst.idx.add.f32.msk vm0, v14  }
0x1e0: {  	[tilespmem:v18+s10+$0x0] =	vst.idx.add.f32.msk vm2, v14  }
0x1e1: {  	[tilespmem:v19+s10+$0x0] =	vst.idx.add.f32.msk vm3, v14  }
.LBB2_24:
0x1e2: {  	s4 =	ssub.s32 s7, s19  }
0x1e3: {  	p1 =	slt.s32 s4, $0x1  }
.Ltmp24:
0x1e4: {  	_ = 	snop;
	(pc) =	sbr.rel @p1 .LBB2_27-.Ltmp24, $1  }
0x1e5: {  	_ =	sdelay $0x3  }
0x1e6: {  	s4 =	sshll.u32 s19, $0x6  }
0x1e7: {  	s4 =	sadd.s32 s13, s4  }
0x1e8: {  	s4 =	sshra.s32 s4, $0x2  }
0x1e9: {  	s4 =	sadd.s32 s4, s30  }
.LBB2_26:
0x1ea: {  	v17 =	vld [tilespmem:s4+$0x0];
	_ =	sdelay $0x4  }
0x1eb: {  	s19 =	sadd.s32 $0x1, s19;
	vm0 =	vlt.u32 v17, $0x400  }
0x1ec: {  	p1 =	slt.s32 s19, s7;
	v17 =	vadd.s32 v16, v17  }
.Ltmp25:
0x1ed: {  	_ = 	snop;
	(pc) =	sbr.rel @p1 .LBB2_26-.Ltmp25, $2  }
0x1ee: {  	_ =	sdelay $0x2  }
0x1ef: {  	s4 =	sadd.s32 $0x10, s4;
	[tilespmem:v17+s10+$0x0] =	vst.idx.add.f32.msk vm0, v14  }
.Ltmp26:
0x1f0: {  	_ = 	snop;
	(pc) =	sbr.rel .LBB2_27-.Ltmp26, $1  }
0x1f1: {  	_ =	sdelay $0x3  }
.LBB2_30:
0x1f2: {  	s0 =	rddreg [dreg:$0x7]  }
0x1f3: {  	p0 =	sgt.s32 s0, $0x0  }
.Ltmp27:
0x1f4: {  	_ = 	snop;
	(pc) =	sbr.rel @!p0 .LBB2_34-.Ltmp27, $2  }
0x1f5: {  	_ =	sdelay $0x2  }
0x1f6: {  	s2 =	rddreg [dreg:$0x6]  }
0x1f7: {  	p0 =	sne.s32 s0, $0x1  }
.Ltmp28:
0x1f8: {  	_ = 	snop;
	(pc) =	sbr.rel @!p0 .LBB2_33-.Ltmp28, $3  }
0x1f9: {  	_ =	sdelay $0x1  }
0x1fa: {  	_ =	swait.ge [sflag:s12], $0x400  }
0x1fb: {  	s0 =	sadd.s32 $0xFFFFFFFF, s0;
	[sflag:s12] =	ssyncset.done $0x0  }
.LBB2_32:
0x1fc: {  	p0 =	sne.s32 s0, $0x1;
	s0 =	sadd.s32 $0xFFFFFFFF, s0;
	[sflag:s12] =	ssyncadd.s32 $0xFFFFFC00  }
.Ltmp29:
0x1fd: {  	(pc) =	sbr.rel @p0 .LBB2_32-.Ltmp29, $3  }
0x1fe: {  	_ =	sdelay $0x1  }
0x1ff: {  	_ =	swait.ge [sflag:s12], $0x400  }
0x200: {  	[sflag:s12] =	ssyncset.done $0x0  }
.Ltmp30:
0x201: {  	_ = 	snop;
	(pc) =	sbr.rel .LBB2_33-.Ltmp30, $1  }
0x202: {  	_ =	sdelay $0x3  }
.LBB2_35:
0x203: {  	_ =	sfence.sel $0x180000  }
0x204: {  	[bflag:$0x0] =	sbarrier.arrive $0xFFFF  }
0x205: {  	_ =	strace $0x90000047  }
0x206: {  	s0 =	stileid.u32;
	[bflag:$0x2] =	sbarrier.arrive $0xFFFF  }
0x207: {  	p0 =	sne.s32 s0, $0x0;
	s0 =	rddreg [dreg:$0x3]  }
0x208: {  	s0 =	sadd.s32 @!p0 $0x100000, s0  }
0x209: {  	[sflag:s0] =	ssyncadd.tile.s32 @!p0 $0x1;
	_ =	shalt  }
.Lfunc_end2:
_tile_overlayer_lowered:
.L_overlay_start_2:
0x20a: {  	(tag) =	ssettag $0x2  }
0x20b: {  	s0 =	rddreg [dreg:$0x0];
	s2 =	stileid.u32  }
0x20c: {  	s1 =	rddreg [dreg:$0x1];
	p0 =	sne.s32 s2, $0x0  }
0x20d: {  	s3 =	rddreg [dreg:$0x2];
	[bflag:$0x3] =	sbarrier.arrive $0xFFFF;
	s2 =	simm.s32 @!p0 $0x1C04  }
0x20e: {  	[timem:s3], [sflag:s2] =	dma.local @!p0 [hbm:s0], s1  }
0x20f: {  	s0 =	simm.s32 @!p0 $0x4  }
0x210: {  	_ =	swait.ge @!p0 [sflag:s0], s1  }
0x211: {  	s1 =	ssub.s32 @!p0 $0x0, s1;
	[sflag:s0] =	ssyncset.done @!p0 $0x0  }
0x212: {  	[sflag:s0] =	ssyncadd.s32 @!p0 s1  }
0x213: {  	[bflag:$0x3] =	sbarrier.arrive $0xFFFF  }
0x214: {  	_ =	shalt  }

</sc_bundles>
